<compile_context>
chip_gen: v7x
topology: tpu7x:2x2x1
jax: 0.10.2.dev20260603
libtpu: 0.0.44.dev20260713+nightly
codegen_flags: <defaults>
</compile_context>

<pallas_src>
import functools

import jax
import jax.numpy as jnp
from jax import lax
from jax.experimental import pallas as pl
from jax.experimental.pallas import tpu as pltpu
from jax.experimental.pallas import tpu_sc as plsc

_N = 10000
_E = 320000
_D = 128
_G = 64

_NC, _NS = 2, 16
_NW = _NC * _NS
_CH = 128
_EPW = ((_E + _NW * _CH - 1) // (_NW * _CH)) * _CH
_E_PAD = _EPW * _NW
_NCH = _EPW // _CH
_N_PAD = 10240
_RPT = _N_PAD // _NS
_RB = 1000

_mesh = plsc.VectorSubcoreMesh(
    core_axis_name="c", subcore_axis_name="s", num_cores=_NC, num_subcores=_NS
)


@functools.partial(
    pl.kernel,
    out_type=jax.ShapeDtypeStruct((_NC * _N_PAD,), jnp.float32),
    mesh=_mesh,
    scratch_types=[
        pltpu.VMEM((_CH,), jnp.int32),
        pltpu.VMEM((_CH,), jnp.float32),
        pltpu.VMEM((_RPT,), jnp.float32),
        pltpu.VMEM_SHARED((_N_PAD,), jnp.float32),
    ],
)
def _deg_kernel(dst_hbm, out_hbm, dst_v, ones_v, zero_v, accum):
    c = lax.axis_index("c")
    s = lax.axis_index("s")
    for j in range(_CH // 16):
        ones_v[pl.ds(j * 16, 16)] = jnp.ones((16,), jnp.float32)
    for j in range(_RPT // 16):
        zero_v[pl.ds(j * 16, 16)] = jnp.zeros((16,), jnp.float32)
    pltpu.sync_copy(zero_v, accum.at[pl.ds(s * _RPT, _RPT)])
    plsc.subcore_barrier()
    base = (c * _NS + s) * _EPW

    def body(k, carry):
        pltpu.sync_copy(dst_hbm.at[pl.ds(base + k * _CH, _CH)], dst_v)
        pltpu.sync_copy(ones_v, accum.at[dst_v], add=True)
        return carry

    lax.fori_loop(0, _NCH, body, 0)
    plsc.subcore_barrier()
    pltpu.sync_copy(
        accum.at[pl.ds(s * _RPT, _RPT)],
        out_hbm.at[pl.ds(c * _N_PAD + s * _RPT, _RPT)],
    )


@functools.partial(
    pl.kernel,
    out_type=jax.ShapeDtypeStruct((_NC, _N_PAD, _D), jnp.float32),
    mesh=_mesh,
    scratch_types=[
        pltpu.VMEM((_CH,), jnp.int32),
        pltpu.VMEM((_CH,), jnp.int32),
        pltpu.VMEM((_CH, _D), jnp.float32),
        pltpu.VMEM_SHARED((_N_PAD, _D), jnp.float32),
        pltpu.SemaphoreType.DMA,
    ],
)
def _agg_kernel(src_hbm, dst_hbm, h_hbm, out_hbm, src_v, dst_v, rows_v, accum, sem):
    c = lax.axis_index("c")
    s = lax.axis_index("s")

    def zbody(i, carry):
        for j in range(_D // 16):
            rows_v[i, pl.ds(j * 16, 16)] = jnp.zeros((16,), jnp.float32)
        return carry

    lax.fori_loop(0, _CH, zbody, 0)
    for r in range(_RPT // _CH):
        pltpu.sync_copy(rows_v, accum.at[pl.ds(s * _RPT + r * _CH, _CH)])
    plsc.subcore_barrier()
    base = (c * _NS + s) * _EPW

    def body(k, carry):
        off = base + k * _CH
        pltpu.sync_copy(src_hbm.at[pl.ds(off, _CH)], src_v)
        pltpu.sync_copy(dst_hbm.at[pl.ds(off, _CH)], dst_v)
        pltpu.async_copy(h_hbm.at[src_v], rows_v, sem).wait()
        pltpu.sync_copy(rows_v, accum.at[dst_v], add=True)
        return carry

    lax.fori_loop(0, _NCH, body, 0)
    plsc.subcore_barrier()
    for r in range(_RPT // _CH):
        pltpu.sync_copy(
            accum.at[pl.ds(s * _RPT + r * _CH, _CH)],
            out_hbm.at[c, pl.ds(s * _RPT + r * _CH, _CH)],
        )


def _prep_body(x_ref, w_ref, d0_ref, d1_ref, hp_ref, dinv_ref):
    deg = d0_ref[...] + d1_ref[...] + 1.0
    dinv = lax.rsqrt(deg)
    h = jnp.dot(x_ref[...], w_ref[...], preferred_element_type=jnp.float32)
    hp_ref[...] = h * dinv
    dinv_ref[...] = dinv


def _mid_body(s0_ref, s1_ref, hp_ref, dinv_ref, b_ref, w_ref, out_ref):
    S = s0_ref[0] + s1_ref[0]
    dinv = dinv_ref[...]
    z = jnp.maximum(dinv * (S + hp_ref[...]) + b_ref[...], 0.0)
    out_ref[...] = jnp.dot(z, w_ref[...], preferred_element_type=jnp.float32) * dinv


def _final_body(s0_ref, s1_ref, hp_ref, dinv_ref, b_ref, bat_ref, out_ref, acc_s, acc_c):
    i = pl.program_id(0)
    S = s0_ref[0] + s1_ref[0]
    dinv = dinv_ref[...]
    z = jnp.maximum(dinv * (S + hp_ref[...]) + b_ref[...], 0.0)
    gid = lax.broadcasted_iota(jnp.int32, (_RB, _G), 1)
    m = (bat_ref[...] == gid).astype(jnp.float32)
    dn = (((0,), (0,)), ((), ()))

    @pl.when(i == 0)
    def _():
        acc_s[...] = jnp.zeros_like(acc_s)
        acc_c[...] = jnp.zeros_like(acc_c)

    acc_s[...] += lax.dot_general(m, z, dn, preferred_element_type=jnp.float32)
    acc_c[...] += lax.dot_general(
        m, jnp.ones((_RB, _D), jnp.float32), dn, preferred_element_type=jnp.float32
    )

    @pl.when(i == pl.num_programs(0) - 1)
    def _():
        out_ref[...] = acc_s[...] / jnp.maximum(acc_c[...], 1.0)


def _row_spec():
    return pl.BlockSpec((_RB, _D), lambda i: (i, 0))


def _col1_spec(dtype_unused=None):
    return pl.BlockSpec((_RB, 1), lambda i: (i, 0))


def _full_spec(shape):
    return pl.BlockSpec(shape, lambda i: tuple(0 for _ in shape))


_prep_call = pl.pallas_call(
    _prep_body,
    grid=(_N // _RB,),
    in_specs=[_row_spec(), _full_spec((_D, _D)), _col1_spec(), _col1_spec()],
    out_specs=[_row_spec(), _col1_spec()],
    out_shape=[
        jax.ShapeDtypeStruct((_N, _D), jnp.float32),
        jax.ShapeDtypeStruct((_N, 1), jnp.float32),
    ],
)

_part_spec0 = pl.BlockSpec((1, _RB, _D), lambda i: (0, i, 0))
_part_spec1 = pl.BlockSpec((1, _RB, _D), lambda i: (1, i, 0))

_mid_call = pl.pallas_call(
    _mid_body,
    grid=(_N // _RB,),
    in_specs=[
        _part_spec0, _part_spec1, _row_spec(), _col1_spec(),
        _full_spec((1, _D)), _full_spec((_D, _D)),
    ],
    out_specs=_row_spec(),
    out_shape=jax.ShapeDtypeStruct((_N, _D), jnp.float32),
)

_final_call = pl.pallas_call(
    _final_body,
    grid=(_N // _RB,),
    in_specs=[
        _part_spec0, _part_spec1, _row_spec(), _col1_spec(),
        _full_spec((1, _D)), _col1_spec(),
    ],
    out_specs=_full_spec((_G, _D)),
    out_shape=jax.ShapeDtypeStruct((_G, _D), jnp.float32),
    scratch_shapes=[
        pltpu.VMEM((_G, _D), jnp.float32),
        pltpu.VMEM((_G, _D), jnp.float32),
    ],
)


def kernel(x, edge_index, batch, W1, b1, W2, b2):
    src = edge_index[0]
    dst = edge_index[1]
    pad = _E_PAD - _E
    src_p = jnp.concatenate([src, jnp.zeros((pad,), jnp.int32)])
    dst_p = jnp.concatenate([dst, jnp.full((pad,), _N, jnp.int32)])

    degp = _deg_kernel(dst_p)
    d0 = degp[:_N].reshape(_N, 1)
    d1 = degp[_N_PAD:_N_PAD + _N].reshape(_N, 1)

    hp1, dinv = _prep_call(x, W1, d0, d1)
    S1 = _agg_kernel(src_p, dst_p, hp1)
    hp2 = _mid_call(S1, S1, hp1, dinv, b1.reshape(1, _D), W2)
    S2 = _agg_kernel(src_p, dst_p, hp2)
    out = _final_call(S2, S2, hp2, dinv, b2.reshape(1, _D), batch.reshape(_N, 1))
    return out

# --- scband reference (transcript-rebuilt; emitter-appended) ---
"""Pipeline reference for scband-gcnnet-57621281243147 (READ-ONLY COPY).

The authoritative reference and input builder live on the scoring server;
editing this copy changes nothing except your own understanding.
"""

import jax, jax.numpy as jnp
import numpy as np

N = 10000
E = 320000
D = 128
G = 64


def setup_inputs(seed: int = 0) -> dict:
    key = jax.random.key(seed)
    ks = jax.random.split(key, 6)
    x = jax.random.normal(ks[0], (N, D), dtype=jnp.float32)
    edge_index = jax.random.randint(ks[1], (2, E), 0, N, dtype=jnp.int32)
    batch = jnp.sort(jax.random.randint(ks[2], (N,), 0, G, dtype=jnp.int32))
    W1 = jax.random.normal(ks[3], (D, D), dtype=jnp.float32) * 0.05
    b1 = jnp.zeros((D,), dtype=jnp.float32)
    W2 = jax.random.normal(ks[4], (D, D), dtype=jnp.float32) * 0.05
    b2 = jnp.zeros((D,), dtype=jnp.float32)
    return {"x": x, "edge_index": edge_index, "batch": batch, "W1": W1, "b1": b1, "W2": W2, "b2": b2}


def _gcn_conv(x, edge_index, W, b):
    # GCNConv: add self-loops, symmetric normalization, linear transform, scatter-add aggregate
    n = x.shape[0]
    src = edge_index[0]
    dst = edge_index[1]
    si = jnp.arange(n, dtype=edge_index.dtype)
    src2 = jnp.concatenate([src, si])
    dst2 = jnp.concatenate([dst, si])
    deg = jnp.zeros((n,), dtype=x.dtype).at[dst2].add(1.0)
    dinv = jnp.where(deg > 0, jax.lax.rsqrt(jnp.maximum(deg, 1e-12)), 0.0)
    norm = dinv[src2] * dinv[dst2]
    h = x @ W
    msg = h[src2] * norm[:, None]
    out = jnp.zeros((n, W.shape[1]), dtype=x.dtype).at[dst2].add(msg)
    return out + b


def reference(x, edge_index, batch, W1, b1, W2, b2):
    h = jax.nn.relu(_gcn_conv(x, edge_index, W1, b1))
    h = jax.nn.relu(_gcn_conv(h, edge_index, W2, b2))
    # global mean pool over batch segments
    sums = jax.ops.segment_sum(h, batch, num_segments=G)
    cnt = jax.ops.segment_sum(jnp.ones((h.shape[0],), dtype=h.dtype), batch, num_segments=G)
    return sums / jnp.clip(cnt, 1.0, None)[:, None]

if __name__ == "__main__":
    import jax
    _d = setup_inputs()
    print(jax.jit(kernel)(*tuple(_d.values())))

</pallas_src>

<mosaic_0001>
#map = affine_map<(d0, d1) -> (0)>
module attributes {stable_mosaic.version = 14 : i64} {
  func.func @_deg_kernel(%arg0: i32, %arg1: i32, %arg2: memref<323584xi32, #tpu.memory_space<hbm>>, %arg3: memref<20480xf32, #tpu.memory_space<hbm>>, %arg4: memref<128xi32, #tpu.memory_space<vmem>>, %arg5: memref<128xf32, #tpu.memory_space<vmem>>, %arg6: memref<640xf32, #tpu.memory_space<vmem>>, %arg7: memref<10240xf32, #tpu.memory_space<vmem_shared>>) attributes {dimension_semantics = [#tpu.dimension_semantics<core_parallel>, #tpu.dimension_semantics<subcore_parallel>], iteration_bounds = array<i64: 2, 16>, scalar_prefetch = 0 : i64, scratch_operands = 4 : i64, tpu.core_type = #tpu.core_type<sc_vector_subcore>, window_params = [{transform_indices = #map}, {transform_indices = #map}]} {
    %broadcast_in_dim3A = arith.constant 1.000000e+00 : f32
    %broadcast_in_dim3A_0 = vector.broadcast %broadcast_in_dim3A : f32 to vector<16xf32>
    %swap3A = arith.constant 0 : index
    %swap3A_1 = tpu.vector_load %arg5[%swap3A] {strides = array<i32>} : memref<128xf32, #tpu.memory_space<vmem>>, vector<16xf32>,
    %swap3A_2 = vector.shape_cast %swap3A_1 : vector<16xf32> to vector<16xf32>
    %swap3A_3 = vector.shape_cast %broadcast_in_dim3A_0 : vector<16xf32> to vector<16xf32>
    tpu.vector_store %arg5[%swap3A], %swap3A_3 {strides = array<i32>} : memref<128xf32, #tpu.memory_space<vmem>>, vector<16xf32>,
    %broadcast_in_dim3A_4 = arith.constant 1.000000e+00 : f32
    %broadcast_in_dim3A_5 = vector.broadcast %broadcast_in_dim3A_4 : f32 to vector<16xf32>
    %swap3A_6 = arith.constant 16 : index
    %swap3A_7 = tpu.vector_load %arg5[%swap3A_6] {strides = array<i32>} : memref<128xf32, #tpu.memory_space<vmem>>, vector<16xf32>,
    %swap3A_8 = vector.shape_cast %swap3A_7 : vector<16xf32> to vector<16xf32>
    %swap3A_9 = vector.shape_cast %broadcast_in_dim3A_5 : vector<16xf32> to vector<16xf32>
    tpu.vector_store %arg5[%swap3A_6], %swap3A_9 {strides = array<i32>} : memref<128xf32, #tpu.memory_space<vmem>>, vector<16xf32>,
    %broadcast_in_dim3A_10 = arith.constant 1.000000e+00 : f32
    %broadcast_in_dim3A_11 = vector.broadcast %broadcast_in_dim3A_10 : f32 to vector<16xf32>
    %swap3A_12 = arith.constant 32 : index
    %swap3A_13 = tpu.vector_load %arg5[%swap3A_12] {strides = array<i32>} : memref<128xf32, #tpu.memory_space<vmem>>, vector<16xf32>,
    %swap3A_14 = vector.shape_cast %swap3A_13 : vector<16xf32> to vector<16xf32>
    %swap3A_15 = vector.shape_cast %broadcast_in_dim3A_11 : vector<16xf32> to vector<16xf32>
    tpu.vector_store %arg5[%swap3A_12], %swap3A_15 {strides = array<i32>} : memref<128xf32, #tpu.memory_space<vmem>>, vector<16xf32>,
    %broadcast_in_dim3A_16 = arith.constant 1.000000e+00 : f32
    %broadcast_in_dim3A_17 = vector.broadcast %broadcast_in_dim3A_16 : f32 to vector<16xf32>
    %swap3A_18 = arith.constant 48 : index
    %swap3A_19 = tpu.vector_load %arg5[%swap3A_18] {strides = array<i32>} : memref<128xf32, #tpu.memory_space<vmem>>, vector<16xf32>,
    %swap3A_20 = vector.shape_cast %swap3A_19 : vector<16xf32> to vector<16xf32>
    %swap3A_21 = vector.shape_cast %broadcast_in_dim3A_17 : vector<16xf32> to vector<16xf32>
    tpu.vector_store %arg5[%swap3A_18], %swap3A_21 {strides = array<i32>} : memref<128xf32, #tpu.memory_space<vmem>>, vector<16xf32>,
    %broadcast_in_dim3A_22 = arith.constant 1.000000e+00 : f32
    %broadcast_in_dim3A_23 = vector.broadcast %broadcast_in_dim3A_22 : f32 to vector<16xf32>
    %swap3A_24 = arith.constant 64 : index
    %swap3A_25 = tpu.vector_load %arg5[%swap3A_24] {strides = array<i32>} : memref<128xf32, #tpu.memory_space<vmem>>, vector<16xf32>,
    %swap3A_26 = vector.shape_cast %swap3A_25 : vector<16xf32> to vector<16xf32>
    %swap3A_27 = vector.shape_cast %broadcast_in_dim3A_23 : vector<16xf32> to vector<16xf32>
    tpu.vector_store %arg5[%swap3A_24], %swap3A_27 {strides = array<i32>} : memref<128xf32, #tpu.memory_space<vmem>>, vector<16xf32>,
    %broadcast_in_dim3A_28 = arith.constant 1.000000e+00 : f32
    %broadcast_in_dim3A_29 = vector.broadcast %broadcast_in_dim3A_28 : f32 to vector<16xf32>
    %swap3A_30 = arith.constant 80 : index
    %swap3A_31 = tpu.vector_load %arg5[%swap3A_30] {strides = array<i32>} : memref<128xf32, #tpu.memory_space<vmem>>, vector<16xf32>,
    %swap3A_32 = vector.shape_cast %swap3A_31 : vector<16xf32> to vector<16xf32>
    %swap3A_33 = vector.shape_cast %broadcast_in_dim3A_29 : vector<16xf32> to vector<16xf32>
    tpu.vector_store %arg5[%swap3A_30], %swap3A_33 {strides = array<i32>} : memref<128xf32, #tpu.memory_space<vmem>>, vector<16xf32>,
    %broadcast_in_dim3A_34 = arith.constant 1.000000e+00 : f32
    %broadcast_in_dim3A_35 = vector.broadcast %broadcast_in_dim3A_34 : f32 to vector<16xf32>
    %swap3A_36 = arith.constant 96 : index
    %swap3A_37 = tpu.vector_load %arg5[%swap3A_36] {strides = array<i32>} : memref<128xf32, #tpu.memory_space<vmem>>, vector<16xf32>,
    %swap3A_38 = vector.shape_cast %swap3A_37 : vector<16xf32> to vector<16xf32>
    %swap3A_39 = vector.shape_cast %broadcast_in_dim3A_35 : vector<16xf32> to vector<16xf32>
    tpu.vector_store %arg5[%swap3A_36], %swap3A_39 {strides = array<i32>} : memref<128xf32, #tpu.memory_space<vmem>>, vector<16xf32>,
    %broadcast_in_dim3A_40 = arith.constant 1.000000e+00 : f32
    %broadcast_in_dim3A_41 = vector.broadcast %broadcast_in_dim3A_40 : f32 to vector<16xf32>
    %swap3A_42 = arith.constant 112 : index
    %swap3A_43 = tpu.vector_load %arg5[%swap3A_42] {strides = array<i32>} : memref<128xf32, #tpu.memory_space<vmem>>, vector<16xf32>,
    %swap3A_44 = vector.shape_cast %swap3A_43 : vector<16xf32> to vector<16xf32>
    %swap3A_45 = vector.shape_cast %broadcast_in_dim3A_41 : vector<16xf32> to vector<16xf32>
    tpu.vector_store %arg5[%swap3A_42], %swap3A_45 {strides = array<i32>} : memref<128xf32, #tpu.memory_space<vmem>>, vector<16xf32>,
    %broadcast_in_dim3A_46 = arith.constant 0.000000e+00 : f32
    %broadcast_in_dim3A_47 = vector.broadcast %broadcast_in_dim3A_46 : f32 to vector<16xf32>
    %swap3A_48 = arith.constant 0 : index
    %swap3A_49 = tpu.vector_load %arg6[%swap3A_48] {strides = array<i32>} : memref<640xf32, #tpu.memory_space<vmem>>, vector<16xf32>,
    %swap3A_50 = vector.shape_cast %swap3A_49 : vector<16xf32> to vector<16xf32>
    %swap3A_51 = vector.shape_cast %broadcast_in_dim3A_47 : vector<16xf32> to vector<16xf32>
    tpu.vector_store %arg6[%swap3A_48], %swap3A_51 {strides = array<i32>} : memref<640xf32, #tpu.memory_space<vmem>>, vector<16xf32>,
    %broadcast_in_dim3A_52 = arith.constant 0.000000e+00 : f32
    %broadcast_in_dim3A_53 = vector.broadcast %broadcast_in_dim3A_52 : f32 to vector<16xf32>
    %swap3A_54 = arith.constant 16 : index
    %swap3A_55 = tpu.vector_load %arg6[%swap3A_54] {strides = array<i32>} : memref<640xf32, #tpu.memory_space<vmem>>, vector<16xf32>,
    %swap3A_56 = vector.shape_cast %swap3A_55 : vector<16xf32> to vector<16xf32>
    %swap3A_57 = vector.shape_cast %broadcast_in_dim3A_53 : vector<16xf32> to vector<16xf32>
    tpu.vector_store %arg6[%swap3A_54], %swap3A_57 {strides = array<i32>} : memref<640xf32, #tpu.memory_space<vmem>>, vector<16xf32>,
    %broadcast_in_dim3A_58 = arith.constant 0.000000e+00 : f32
    %broadcast_in_dim3A_59 = vector.broadcast %broadcast_in_dim3A_58 : f32 to vector<16xf32>
    %swap3A_60 = arith.constant 32 : index
    %swap3A_61 = tpu.vector_load %arg6[%swap3A_60] {strides = array<i32>} : memref<640xf32, #tpu.memory_space<vmem>>, vector<16xf32>,
    %swap3A_62 = vector.shape_cast %swap3A_61 : vector<16xf32> to vector<16xf32>
    %swap3A_63 = vector.shape_cast %broadcast_in_dim3A_59 : vector<16xf32> to vector<16xf32>
    tpu.vector_store %arg6[%swap3A_60], %swap3A_63 {strides = array<i32>} : memref<640xf32, #tpu.memory_space<vmem>>, vector<16xf32>,
    %broadcast_in_dim3A_64 = arith.constant 0.000000e+00 : f32
    %broadcast_in_dim3A_65 = vector.broadcast %broadcast_in_dim3A_64 : f32 to vector<16xf32>
    %swap3A_66 = arith.constant 48 : index
    %swap3A_67 = tpu.vector_load %arg6[%swap3A_66] {strides = array<i32>} : memref<640xf32, #tpu.memory_space<vmem>>, vector<16xf32>,
    %swap3A_68 = vector.shape_cast %swap3A_67 : vector<16xf32> to vector<16xf32>
    %swap3A_69 = vector.shape_cast %broadcast_in_dim3A_65 : vector<16xf32> to vector<16xf32>
    tpu.vector_store %arg6[%swap3A_66], %swap3A_69 {strides = array<i32>} : memref<640xf32, #tpu.memory_space<vmem>>, vector<16xf32>,
    %broadcast_in_dim3A_70 = arith.constant 0.000000e+00 : f32
    %broadcast_in_dim3A_71 = vector.broadcast %broadcast_in_dim3A_70 : f32 to vector<16xf32>
    %swap3A_72 = arith.constant 64 : index
    %swap3A_73 = tpu.vector_load %arg6[%swap3A_72] {strides = array<i32>} : memref<640xf32, #tpu.memory_space<vmem>>, vector<16xf32>,
    %swap3A_74 = vector.shape_cast %swap3A_73 : vector<16xf32> to vector<16xf32>
    %swap3A_75 = vector.shape_cast %broadcast_in_dim3A_71 : vector<16xf32> to vector<16xf32>
    tpu.vector_store %arg6[%swap3A_72], %swap3A_75 {strides = array<i32>} : memref<640xf32, #tpu.memory_space<vmem>>, vector<16xf32>,
    %broadcast_in_dim3A_76 = arith.constant 0.000000e+00 : f32
    %broadcast_in_dim3A_77 = vector.broadcast %broadcast_in_dim3A_76 : f32 to vector<16xf32>
    %swap3A_78 = arith.constant 80 : index
    %swap3A_79 = tpu.vector_load %arg6[%swap3A_78] {strides = array<i32>} : memref<640xf32, #tpu.memory_space<vmem>>, vector<16xf32>,
    %swap3A_80 = vector.shape_cast %swap3A_79 : vector<16xf32> to vector<16xf32>
    %swap3A_81 = vector.shape_cast %broadcast_in_dim3A_77 : vector<16xf32> to vector<16xf32>
    tpu.vector_store %arg6[%swap3A_78], %swap3A_81 {strides = array<i32>} : memref<640xf32, #tpu.memory_space<vmem>>, vector<16xf32>,
    %broadcast_in_dim3A_82 = arith.constant 0.000000e+00 : f32
    %broadcast_in_dim3A_83 = vector.broadcast %broadcast_in_dim3A_82 : f32 to vector<16xf32>
    %swap3A_84 = arith.constant 96 : index
    %swap3A_85 = tpu.vector_load %arg6[%swap3A_84] {strides = array<i32>} : memref<640xf32, #tpu.memory_space<vmem>>, vector<16xf32>,
    %swap3A_86 = vector.shape_cast %swap3A_85 : vector<16xf32> to vector<16xf32>
    %swap3A_87 = vector.shape_cast %broadcast_in_dim3A_83 : vector<16xf32> to vector<16xf32>
    tpu.vector_store %arg6[%swap3A_84], %swap3A_87 {strides = array<i32>} : memref<640xf32, #tpu.memory_space<vmem>>, vector<16xf32>,
    %broadcast_in_dim3A_88 = arith.constant 0.000000e+00 : f32
    %broadcast_in_dim3A_89 = vector.broadcast %broadcast_in_dim3A_88 : f32 to vector<16xf32>
    %swap3A_90 = arith.constant 112 : index
    %swap3A_91 = tpu.vector_load %arg6[%swap3A_90] {strides = array<i32>} : memref<640xf32, #tpu.memory_space<vmem>>, vector<16xf32>,
    %swap3A_92 = vector.shape_cast %swap3A_91 : vector<16xf32> to vector<16xf32>
    %swap3A_93 = vector.shape_cast %broadcast_in_dim3A_89 : vector<16xf32> to vector<16xf32>
    tpu.vector_store %arg6[%swap3A_90], %swap3A_93 {strides = array<i32>} : memref<640xf32, #tpu.memory_space<vmem>>, vector<16xf32>,
    %broadcast_in_dim3A_94 = arith.constant 0.000000e+00 : f32
    %broadcast_in_dim3A_95 = vector.broadcast %broadcast_in_dim3A_94 : f32 to vector<16xf32>
    %swap3A_96 = arith.constant 128 : index
    %swap3A_97 = tpu.vector_load %arg6[%swap3A_96] {strides = array<i32>} : memref<640xf32, #tpu.memory_space<vmem>>, vector<16xf32>,
    %swap3A_98 = vector.shape_cast %swap3A_97 : vector<16xf32> to vector<16xf32>
    %swap3A_99 = vector.shape_cast %broadcast_in_dim3A_95 : vector<16xf32> to vector<16xf32>
    tpu.vector_store %arg6[%swap3A_96], %swap3A_99 {strides = array<i32>} : memref<640xf32, #tpu.memory_space<vmem>>, vector<16xf32>,
    %broadcast_in_dim3A_100 = arith.constant 0.000000e+00 : f32
    %broadcast_in_dim3A_101 = vector.broadcast %broadcast_in_dim3A_100 : f32 to vector<16xf32>
    %swap3A_102 = arith.constant 144 : index
    %swap3A_103 = tpu.vector_load %arg6[%swap3A_102] {strides = array<i32>} : memref<640xf32, #tpu.memory_space<vmem>>, vector<16xf32>,
    %swap3A_104 = vector.shape_cast %swap3A_103 : vector<16xf32> to vector<16xf32>
    %swap3A_105 = vector.shape_cast %broadcast_in_dim3A_101 : vector<16xf32> to vector<16xf32>
    tpu.vector_store %arg6[%swap3A_102], %swap3A_105 {strides = array<i32>} : memref<640xf32, #tpu.memory_space<vmem>>, vector<16xf32>,
    %broadcast_in_dim3A_106 = arith.constant 0.000000e+00 : f32
    %broadcast_in_dim3A_107 = vector.broadcast %broadcast_in_dim3A_106 : f32 to vector<16xf32>
    %swap3A_108 = arith.constant 160 : index
    %swap3A_109 = tpu.vector_load %arg6[%swap3A_108] {strides = array<i32>} : memref<640xf32, #tpu.memory_space<vmem>>, vector<16xf32>,
    %swap3A_110 = vector.shape_cast %swap3A_109 : vector<16xf32> to vector<16xf32>
    %swap3A_111 = vector.shape_cast %broadcast_in_dim3A_107 : vector<16xf32> to vector<16xf32>
    tpu.vector_store %arg6[%swap3A_108], %swap3A_111 {strides = array<i32>} : memref<640xf32, #tpu.memory_space<vmem>>, vector<16xf32>,
    %broadcast_in_dim3A_112 = arith.constant 0.000000e+00 : f32
    %broadcast_in_dim3A_113 = vector.broadcast %broadcast_in_dim3A_112 : f32 to vector<16xf32>
    %swap3A_114 = arith.constant 176 : index
    %swap3A_115 = tpu.vector_load %arg6[%swap3A_114] {strides = array<i32>} : memref<640xf32, #tpu.memory_space<vmem>>, vector<16xf32>,
    %swap3A_116 = vector.shape_cast %swap3A_115 : vector<16xf32> to vector<16xf32>
    %swap3A_117 = vector.shape_cast %broadcast_in_dim3A_113 : vector<16xf32> to vector<16xf32>
    tpu.vector_store %arg6[%swap3A_114], %swap3A_117 {strides = array<i32>} : memref<640xf32, #tpu.memory_space<vmem>>, vector<16xf32>,
    %broadcast_in_dim3A_118 = arith.constant 0.000000e+00 : f32
    %broadcast_in_dim3A_119 = vector.broadcast %broadcast_in_dim3A_118 : f32 to vector<16xf32>
    %swap3A_120 = arith.constant 192 : index
    %swap3A_121 = tpu.vector_load %arg6[%swap3A_120] {strides = array<i32>} : memref<640xf32, #tpu.memory_space<vmem>>, vector<16xf32>,
    %swap3A_122 = vector.shape_cast %swap3A_121 : vector<16xf32> to vector<16xf32>
    %swap3A_123 = vector.shape_cast %broadcast_in_dim3A_119 : vector<16xf32> to vector<16xf32>
    tpu.vector_store %arg6[%swap3A_120], %swap3A_123 {strides = array<i32>} : memref<640xf32, #tpu.memory_space<vmem>>, vector<16xf32>,
    %broadcast_in_dim3A_124 = arith.constant 0.000000e+00 : f32
    %broadcast_in_dim3A_125 = vector.broadcast %broadcast_in_dim3A_124 : f32 to vector<16xf32>
    %swap3A_126 = arith.constant 208 : index
    %swap3A_127 = tpu.vector_load %arg6[%swap3A_126] {strides = array<i32>} : memref<640xf32, #tpu.memory_space<vmem>>, vector<16xf32>,
    %swap3A_128 = vector.shape_cast %swap3A_127 : vector<16xf32> to vector<16xf32>
    %swap3A_129 = vector.shape_cast %broadcast_in_dim3A_125 : vector<16xf32> to vector<16xf32>
    tpu.vector_store %arg6[%swap3A_126], %swap3A_129 {strides = array<i32>} : memref<640xf32, #tpu.memory_space<vmem>>, vector<16xf32>,
    %broadcast_in_dim3A_130 = arith.constant 0.000000e+00 : f32
    %broadcast_in_dim3A_131 = vector.broadcast %broadcast_in_dim3A_130 : f32 to vector<16xf32>
    %swap3A_132 = arith.constant 224 : index
    %swap3A_133 = tpu.vector_load %arg6[%swap3A_132] {strides = array<i32>} : memref<640xf32, #tpu.memory_space<vmem>>, vector<16xf32>,
    %swap3A_134 = vector.shape_cast %swap3A_133 : vector<16xf32> to vector<16xf32>
    %swap3A_135 = vector.shape_cast %broadcast_in_dim3A_131 : vector<16xf32> to vector<16xf32>
    tpu.vector_store %arg6[%swap3A_132], %swap3A_135 {strides = array<i32>} : memref<640xf32, #tpu.memory_space<vmem>>, vector<16xf32>,
    %broadcast_in_dim3A_136 = arith.constant 0.000000e+00 : f32
    %broadcast_in_dim3A_137 = vector.broadcast %broadcast_in_dim3A_136 : f32 to vector<16xf32>
    %swap3A_138 = arith.constant 240 : index
    %swap3A_139 = tpu.vector_load %arg6[%swap3A_138] {strides = array<i32>} : memref<640xf32, #tpu.memory_space<vmem>>, vector<16xf32>,
    %swap3A_140 = vector.shape_cast %swap3A_139 : vector<16xf32> to vector<16xf32>
    %swap3A_141 = vector.shape_cast %broadcast_in_dim3A_137 : vector<16xf32> to vector<16xf32>
    tpu.vector_store %arg6[%swap3A_138], %swap3A_141 {strides = array<i32>} : memref<640xf32, #tpu.memory_space<vmem>>, vector<16xf32>,
    %broadcast_in_dim3A_142 = arith.constant 0.000000e+00 : f32
    %broadcast_in_dim3A_143 = vector.broadcast %broadcast_in_dim3A_142 : f32 to vector<16xf32>
    %swap3A_144 = arith.constant 256 : index
    %swap3A_145 = tpu.vector_load %arg6[%swap3A_144] {strides = array<i32>} : memref<640xf32, #tpu.memory_space<vmem>>, vector<16xf32>,
    %swap3A_146 = vector.shape_cast %swap3A_145 : vector<16xf32> to vector<16xf32>
    %swap3A_147 = vector.shape_cast %broadcast_in_dim3A_143 : vector<16xf32> to vector<16xf32>
    tpu.vector_store %arg6[%swap3A_144], %swap3A_147 {strides = array<i32>} : memref<640xf32, #tpu.memory_space<vmem>>, vector<16xf32>,
    %broadcast_in_dim3A_148 = arith.constant 0.000000e+00 : f32
    %broadcast_in_dim3A_149 = vector.broadcast %broadcast_in_dim3A_148 : f32 to vector<16xf32>
    %swap3A_150 = arith.constant 272 : index
    %swap3A_151 = tpu.vector_load %arg6[%swap3A_150] {strides = array<i32>} : memref<640xf32, #tpu.memory_space<vmem>>, vector<16xf32>,
    %swap3A_152 = vector.shape_cast %swap3A_151 : vector<16xf32> to vector<16xf32>
    %swap3A_153 = vector.shape_cast %broadcast_in_dim3A_149 : vector<16xf32> to vector<16xf32>
    tpu.vector_store %arg6[%swap3A_150], %swap3A_153 {strides = array<i32>} : memref<640xf32, #tpu.memory_space<vmem>>, vector<16xf32>,
    %broadcast_in_dim3A_154 = arith.constant 0.000000e+00 : f32
    %broadcast_in_dim3A_155 = vector.broadcast %broadcast_in_dim3A_154 : f32 to vector<16xf32>
    %swap3A_156 = arith.constant 288 : index
    %swap3A_157 = tpu.vector_load %arg6[%swap3A_156] {strides = array<i32>} : memref<640xf32, #tpu.memory_space<vmem>>, vector<16xf32>,
    %swap3A_158 = vector.shape_cast %swap3A_157 : vector<16xf32> to vector<16xf32>
    %swap3A_159 = vector.shape_cast %broadcast_in_dim3A_155 : vector<16xf32> to vector<16xf32>
    tpu.vector_store %arg6[%swap3A_156], %swap3A_159 {strides = array<i32>} : memref<640xf32, #tpu.memory_space<vmem>>, vector<16xf32>,
    %broadcast_in_dim3A_160 = arith.constant 0.000000e+00 : f32
    %broadcast_in_dim3A_161 = vector.broadcast %broadcast_in_dim3A_160 : f32 to vector<16xf32>
    %swap3A_162 = arith.constant 304 : index
    %swap3A_163 = tpu.vector_load %arg6[%swap3A_162] {strides = array<i32>} : memref<640xf32, #tpu.memory_space<vmem>>, vector<16xf32>,
    %swap3A_164 = vector.shape_cast %swap3A_163 : vector<16xf32> to vector<16xf32>
    %swap3A_165 = vector.shape_cast %broadcast_in_dim3A_161 : vector<16xf32> to vector<16xf32>
    tpu.vector_store %arg6[%swap3A_162], %swap3A_165 {strides = array<i32>} : memref<640xf32, #tpu.memory_space<vmem>>, vector<16xf32>,
    %broadcast_in_dim3A_166 = arith.constant 0.000000e+00 : f32
    %broadcast_in_dim3A_167 = vector.broadcast %broadcast_in_dim3A_166 : f32 to vector<16xf32>
    %swap3A_168 = arith.constant 320 : index
    %swap3A_169 = tpu.vector_load %arg6[%swap3A_168] {strides = array<i32>} : memref<640xf32, #tpu.memory_space<vmem>>, vector<16xf32>,
    %swap3A_170 = vector.shape_cast %swap3A_169 : vector<16xf32> to vector<16xf32>
    %swap3A_171 = vector.shape_cast %broadcast_in_dim3A_167 : vector<16xf32> to vector<16xf32>
    tpu.vector_store %arg6[%swap3A_168], %swap3A_171 {strides = array<i32>} : memref<640xf32, #tpu.memory_space<vmem>>, vector<16xf32>,
    %broadcast_in_dim3A_172 = arith.constant 0.000000e+00 : f32
    %broadcast_in_dim3A_173 = vector.broadcast %broadcast_in_dim3A_172 : f32 to vector<16xf32>
    %swap3A_174 = arith.constant 336 : index
    %swap3A_175 = tpu.vector_load %arg6[%swap3A_174] {strides = array<i32>} : memref<640xf32, #tpu.memory_space<vmem>>, vector<16xf32>,
    %swap3A_176 = vector.shape_cast %swap3A_175 : vector<16xf32> to vector<16xf32>
    %swap3A_177 = vector.shape_cast %broadcast_in_dim3A_173 : vector<16xf32> to vector<16xf32>
    tpu.vector_store %arg6[%swap3A_174], %swap3A_177 {strides = array<i32>} : memref<640xf32, #tpu.memory_space<vmem>>, vector<16xf32>,
    %broadcast_in_dim3A_178 = arith.constant 0.000000e+00 : f32
    %broadcast_in_dim3A_179 = vector.broadcast %broadcast_in_dim3A_178 : f32 to vector<16xf32>
    %swap3A_180 = arith.constant 352 : index
    %swap3A_181 = tpu.vector_load %arg6[%swap3A_180] {strides = array<i32>} : memref<640xf32, #tpu.memory_space<vmem>>, vector<16xf32>,
    %swap3A_182 = vector.shape_cast %swap3A_181 : vector<16xf32> to vector<16xf32>
    %swap3A_183 = vector.shape_cast %broadcast_in_dim3A_179 : vector<16xf32> to vector<16xf32>
    tpu.vector_store %arg6[%swap3A_180], %swap3A_183 {strides = array<i32>} : memref<640xf32, #tpu.memory_space<vmem>>, vector<16xf32>,
    %broadcast_in_dim3A_184 = arith.constant 0.000000e+00 : f32
    %broadcast_in_dim3A_185 = vector.broadcast %broadcast_in_dim3A_184 : f32 to vector<16xf32>
    %swap3A_186 = arith.constant 368 : index
    %swap3A_187 = tpu.vector_load %arg6[%swap3A_186] {strides = array<i32>} : memref<640xf32, #tpu.memory_space<vmem>>, vector<16xf32>,
    %swap3A_188 = vector.shape_cast %swap3A_187 : vector<16xf32> to vector<16xf32>
    %swap3A_189 = vector.shape_cast %broadcast_in_dim3A_185 : vector<16xf32> to vector<16xf32>
    tpu.vector_store %arg6[%swap3A_186], %swap3A_189 {strides = array<i32>} : memref<640xf32, #tpu.memory_space<vmem>>, vector<16xf32>,
    %broadcast_in_dim3A_190 = arith.constant 0.000000e+00 : f32
    %broadcast_in_dim3A_191 = vector.broadcast %broadcast_in_dim3A_190 : f32 to vector<16xf32>
    %swap3A_192 = arith.constant 384 : index
    %swap3A_193 = tpu.vector_load %arg6[%swap3A_192] {strides = array<i32>} : memref<640xf32, #tpu.memory_space<vmem>>, vector<16xf32>,
    %swap3A_194 = vector.shape_cast %swap3A_193 : vector<16xf32> to vector<16xf32>
    %swap3A_195 = vector.shape_cast %broadcast_in_dim3A_191 : vector<16xf32> to vector<16xf32>
    tpu.vector_store %arg6[%swap3A_192], %swap3A_195 {strides = array<i32>} : memref<640xf32, #tpu.memory_space<vmem>>, vector<16xf32>,
    %broadcast_in_dim3A_196 = arith.constant 0.000000e+00 : f32
    %broadcast_in_dim3A_197 = vector.broadcast %broadcast_in_dim3A_196 : f32 to vector<16xf32>
    %swap3A_198 = arith.constant 400 : index
    %swap3A_199 = tpu.vector_load %arg6[%swap3A_198] {strides = array<i32>} : memref<640xf32, #tpu.memory_space<vmem>>, vector<16xf32>,
    %swap3A_200 = vector.shape_cast %swap3A_199 : vector<16xf32> to vector<16xf32>
    %swap3A_201 = vector.shape_cast %broadcast_in_dim3A_197 : vector<16xf32> to vector<16xf32>
    tpu.vector_store %arg6[%swap3A_198], %swap3A_201 {strides = array<i32>} : memref<640xf32, #tpu.memory_space<vmem>>, vector<16xf32>,
    %broadcast_in_dim3A_202 = arith.constant 0.000000e+00 : f32
    %broadcast_in_dim3A_203 = vector.broadcast %broadcast_in_dim3A_202 : f32 to vector<16xf32>
    %swap3A_204 = arith.constant 416 : index
    %swap3A_205 = tpu.vector_load %arg6[%swap3A_204] {strides = array<i32>} : memref<640xf32, #tpu.memory_space<vmem>>, vector<16xf32>,
    %swap3A_206 = vector.shape_cast %swap3A_205 : vector<16xf32> to vector<16xf32>
    %swap3A_207 = vector.shape_cast %broadcast_in_dim3A_203 : vector<16xf32> to vector<16xf32>
    tpu.vector_store %arg6[%swap3A_204], %swap3A_207 {strides = array<i32>} : memref<640xf32, #tpu.memory_space<vmem>>, vector<16xf32>,
    %broadcast_in_dim3A_208 = arith.constant 0.000000e+00 : f32
    %broadcast_in_dim3A_209 = vector.broadcast %broadcast_in_dim3A_208 : f32 to vector<16xf32>
    %swap3A_210 = arith.constant 432 : index
    %swap3A_211 = tpu.vector_load %arg6[%swap3A_210] {strides = array<i32>} : memref<640xf32, #tpu.memory_space<vmem>>, vector<16xf32>,
    %swap3A_212 = vector.shape_cast %swap3A_211 : vector<16xf32> to vector<16xf32>
    %swap3A_213 = vector.shape_cast %broadcast_in_dim3A_209 : vector<16xf32> to vector<16xf32>
    tpu.vector_store %arg6[%swap3A_210], %swap3A_213 {strides = array<i32>} : memref<640xf32, #tpu.memory_space<vmem>>, vector<16xf32>,
    %broadcast_in_dim3A_214 = arith.constant 0.000000e+00 : f32
    %broadcast_in_dim3A_215 = vector.broadcast %broadcast_in_dim3A_214 : f32 to vector<16xf32>
    %swap3A_216 = arith.constant 448 : index
    %swap3A_217 = tpu.vector_load %arg6[%swap3A_216] {strides = array<i32>} : memref<640xf32, #tpu.memory_space<vmem>>, vector<16xf32>,
    %swap3A_218 = vector.shape_cast %swap3A_217 : vector<16xf32> to vector<16xf32>
    %swap3A_219 = vector.shape_cast %broadcast_in_dim3A_215 : vector<16xf32> to vector<16xf32>
    tpu.vector_store %arg6[%swap3A_216], %swap3A_219 {strides = array<i32>} : memref<640xf32, #tpu.memory_space<vmem>>, vector<16xf32>,
    %broadcast_in_dim3A_220 = arith.constant 0.000000e+00 : f32
    %broadcast_in_dim3A_221 = vector.broadcast %broadcast_in_dim3A_220 : f32 to vector<16xf32>
    %swap3A_222 = arith.constant 464 : index
    %swap3A_223 = tpu.vector_load %arg6[%swap3A_222] {strides = array<i32>} : memref<640xf32, #tpu.memory_space<vmem>>, vector<16xf32>,
    %swap3A_224 = vector.shape_cast %swap3A_223 : vector<16xf32> to vector<16xf32>
    %swap3A_225 = vector.shape_cast %broadcast_in_dim3A_221 : vector<16xf32> to vector<16xf32>
    tpu.vector_store %arg6[%swap3A_222], %swap3A_225 {strides = array<i32>} : memref<640xf32, #tpu.memory_space<vmem>>, vector<16xf32>,
    %broadcast_in_dim3A_226 = arith.constant 0.000000e+00 : f32
    %broadcast_in_dim3A_227 = vector.broadcast %broadcast_in_dim3A_226 : f32 to vector<16xf32>
    %swap3A_228 = arith.constant 480 : index
    %swap3A_229 = tpu.vector_load %arg6[%swap3A_228] {strides = array<i32>} : memref<640xf32, #tpu.memory_space<vmem>>, vector<16xf32>,
    %swap3A_230 = vector.shape_cast %swap3A_229 : vector<16xf32> to vector<16xf32>
    %swap3A_231 = vector.shape_cast %broadcast_in_dim3A_227 : vector<16xf32> to vector<16xf32>
    tpu.vector_store %arg6[%swap3A_228], %swap3A_231 {strides = array<i32>} : memref<640xf32, #tpu.memory_space<vmem>>, vector<16xf32>,
    %broadcast_in_dim3A_232 = arith.constant 0.000000e+00 : f32
    %broadcast_in_dim3A_233 = vector.broadcast %broadcast_in_dim3A_232 : f32 to vector<16xf32>
    %swap3A_234 = arith.constant 496 : index
    %swap3A_235 = tpu.vector_load %arg6[%swap3A_234] {strides = array<i32>} : memref<640xf32, #tpu.memory_space<vmem>>, vector<16xf32>,
    %swap3A_236 = vector.shape_cast %swap3A_235 : vector<16xf32> to vector<16xf32>
    %swap3A_237 = vector.shape_cast %broadcast_in_dim3A_233 : vector<16xf32> to vector<16xf32>
    tpu.vector_store %arg6[%swap3A_234], %swap3A_237 {strides = array<i32>} : memref<640xf32, #tpu.memory_space<vmem>>, vector<16xf32>,
    %broadcast_in_dim3A_238 = arith.constant 0.000000e+00 : f32
    %broadcast_in_dim3A_239 = vector.broadcast %broadcast_in_dim3A_238 : f32 to vector<16xf32>
    %swap3A_240 = arith.constant 512 : index
    %swap3A_241 = tpu.vector_load %arg6[%swap3A_240] {strides = array<i32>} : memref<640xf32, #tpu.memory_space<vmem>>, vector<16xf32>,
    %swap3A_242 = vector.shape_cast %swap3A_241 : vector<16xf32> to vector<16xf32>
    %swap3A_243 = vector.shape_cast %broadcast_in_dim3A_239 : vector<16xf32> to vector<16xf32>
    tpu.vector_store %arg6[%swap3A_240], %swap3A_243 {strides = array<i32>} : memref<640xf32, #tpu.memory_space<vmem>>, vector<16xf32>,
    %broadcast_in_dim3A_244 = arith.constant 0.000000e+00 : f32
    %broadcast_in_dim3A_245 = vector.broadcast %broadcast_in_dim3A_244 : f32 to vector<16xf32>
    %swap3A_246 = arith.constant 528 : index
    %swap3A_247 = tpu.vector_load %arg6[%swap3A_246] {strides = array<i32>} : memref<640xf32, #tpu.memory_space<vmem>>, vector<16xf32>,
    %swap3A_248 = vector.shape_cast %swap3A_247 : vector<16xf32> to vector<16xf32>
    %swap3A_249 = vector.shape_cast %broadcast_in_dim3A_245 : vector<16xf32> to vector<16xf32>
    tpu.vector_store %arg6[%swap3A_246], %swap3A_249 {strides = array<i32>} : memref<640xf32, #tpu.memory_space<vmem>>, vector<16xf32>,
    %broadcast_in_dim3A_250 = arith.constant 0.000000e+00 : f32
    %broadcast_in_dim3A_251 = vector.broadcast %broadcast_in_dim3A_250 : f32 to vector<16xf32>
    %swap3A_252 = arith.constant 544 : index
    %swap3A_253 = tpu.vector_load %arg6[%swap3A_252] {strides = array<i32>} : memref<640xf32, #tpu.memory_space<vmem>>, vector<16xf32>,
    %swap3A_254 = vector.shape_cast %swap3A_253 : vector<16xf32> to vector<16xf32>
    %swap3A_255 = vector.shape_cast %broadcast_in_dim3A_251 : vector<16xf32> to vector<16xf32>
    tpu.vector_store %arg6[%swap3A_252], %swap3A_255 {strides = array<i32>} : memref<640xf32, #tpu.memory_space<vmem>>, vector<16xf32>,
    %broadcast_in_dim3A_256 = arith.constant 0.000000e+00 : f32
    %broadcast_in_dim3A_257 = vector.broadcast %broadcast_in_dim3A_256 : f32 to vector<16xf32>
    %swap3A_258 = arith.constant 560 : index
    %swap3A_259 = tpu.vector_load %arg6[%swap3A_258] {strides = array<i32>} : memref<640xf32, #tpu.memory_space<vmem>>, vector<16xf32>,
    %swap3A_260 = vector.shape_cast %swap3A_259 : vector<16xf32> to vector<16xf32>
    %swap3A_261 = vector.shape_cast %broadcast_in_dim3A_257 : vector<16xf32> to vector<16xf32>
    tpu.vector_store %arg6[%swap3A_258], %swap3A_261 {strides = array<i32>} : memref<640xf32, #tpu.memory_space<vmem>>, vector<16xf32>,
    %broadcast_in_dim3A_262 = arith.constant 0.000000e+00 : f32
    %broadcast_in_dim3A_263 = vector.broadcast %broadcast_in_dim3A_262 : f32 to vector<16xf32>
    %swap3A_264 = arith.constant 576 : index
    %swap3A_265 = tpu.vector_load %arg6[%swap3A_264] {strides = array<i32>} : memref<640xf32, #tpu.memory_space<vmem>>, vector<16xf32>,
    %swap3A_266 = vector.shape_cast %swap3A_265 : vector<16xf32> to vector<16xf32>
    %swap3A_267 = vector.shape_cast %broadcast_in_dim3A_263 : vector<16xf32> to vector<16xf32>
    tpu.vector_store %arg6[%swap3A_264], %swap3A_267 {strides = array<i32>} : memref<640xf32, #tpu.memory_space<vmem>>, vector<16xf32>,
    %broadcast_in_dim3A_268 = arith.constant 0.000000e+00 : f32
    %broadcast_in_dim3A_269 = vector.broadcast %broadcast_in_dim3A_268 : f32 to vector<16xf32>
    %swap3A_270 = arith.constant 592 : index
    %swap3A_271 = tpu.vector_load %arg6[%swap3A_270] {strides = array<i32>} : memref<640xf32, #tpu.memory_space<vmem>>, vector<16xf32>,
    %swap3A_272 = vector.shape_cast %swap3A_271 : vector<16xf32> to vector<16xf32>
    %swap3A_273 = vector.shape_cast %broadcast_in_dim3A_269 : vector<16xf32> to vector<16xf32>
    tpu.vector_store %arg6[%swap3A_270], %swap3A_273 {strides = array<i32>} : memref<640xf32, #tpu.memory_space<vmem>>, vector<16xf32>,
    %broadcast_in_dim3A_274 = arith.constant 0.000000e+00 : f32
    %broadcast_in_dim3A_275 = vector.broadcast %broadcast_in_dim3A_274 : f32 to vector<16xf32>
    %swap3A_276 = arith.constant 608 : index
    %swap3A_277 = tpu.vector_load %arg6[%swap3A_276] {strides = array<i32>} : memref<640xf32, #tpu.memory_space<vmem>>, vector<16xf32>,
    %swap3A_278 = vector.shape_cast %swap3A_277 : vector<16xf32> to vector<16xf32>
    %swap3A_279 = vector.shape_cast %broadcast_in_dim3A_275 : vector<16xf32> to vector<16xf32>
    tpu.vector_store %arg6[%swap3A_276], %swap3A_279 {strides = array<i32>} : memref<640xf32, #tpu.memory_space<vmem>>, vector<16xf32>,
    %broadcast_in_dim3A_280 = arith.constant 0.000000e+00 : f32
    %broadcast_in_dim3A_281 = vector.broadcast %broadcast_in_dim3A_280 : f32 to vector<16xf32>
    %swap3A_282 = arith.constant 624 : index
    %swap3A_283 = tpu.vector_load %arg6[%swap3A_282] {strides = array<i32>} : memref<640xf32, #tpu.memory_space<vmem>>, vector<16xf32>,
    %swap3A_284 = vector.shape_cast %swap3A_283 : vector<16xf32> to vector<16xf32>
    %swap3A_285 = vector.shape_cast %broadcast_in_dim3A_281 : vector<16xf32> to vector<16xf32>
    tpu.vector_store %arg6[%swap3A_282], %swap3A_285 {strides = array<i32>} : memref<640xf32, #tpu.memory_space<vmem>>, vector<16xf32>,
    %mul3A = arith.constant 640 : i32
    %mul3A_286 = arith.muli %arg1, %mul3A : i32
    "tpu.region"() ({
      %run_scoped3A = tpu.sem_alloc : memref<!tpu.dma_semaphore, #tpu.memory_space<semaphore_mem>>
      %dma_start3A = tpu.memref_slice %arg7[%mul3A_286] : memref<10240xf32, #tpu.memory_space<vmem_shared>> -> memref<640xf32, #tpu.memory_space<vmem_shared>>
      %dma_start3A_304 = tpu.memref_slice %arg7[%mul3A_286] : memref<10240xf32, #tpu.memory_space<vmem_shared>> -> memref<640xf32, #tpu.memory_space<vmem_shared>>
      tpu.enqueue_dma source(%arg6 : memref<640xf32, #tpu.memory_space<vmem>>) target(%dma_start3A_304 : memref<640xf32, #tpu.memory_space<vmem_shared>>) target_semaphore(%run_scoped3A : memref<!tpu.dma_semaphore, #tpu.memory_space<semaphore_mem>>)
      %dma_wait3A = tpu.memref_slice %arg7[%mul3A_286] : memref<10240xf32, #tpu.memory_space<vmem_shared>> -> memref<640xf32, #tpu.memory_space<vmem_shared>>
      %dma_wait3A_305 = tpu.memref_slice %arg7[%mul3A_286] : memref<10240xf32, #tpu.memory_space<vmem_shared>> -> memref<640xf32, #tpu.memory_space<vmem_shared>>
      tpu.wait_dma2 semaphore(%run_scoped3A : memref<!tpu.dma_semaphore, #tpu.memory_space<semaphore_mem>>) src(%arg6 : memref<640xf32, #tpu.memory_space<vmem>>) dst(%dma_wait3A_305 : memref<640xf32, #tpu.memory_space<vmem_shared>>)
      tpu.yield
    }) : () -> ()
    %barrier3A = arith.constant 0 : index
    tpu.barrier barrier_id(%barrier3A)
    %mul3A_287 = arith.constant 16 : i32
    %mul3A_288 = arith.muli %arg0, %mul3A_287 : i32
    %add3A = arith.addi %mul3A_288, %arg1 : i32
    %mul3A_289 = arith.constant 10112 : i32
    %mul3A_290 = arith.muli %add3A, %mul3A_289 : i32
    %scan3A = arith.constant 0 : i32
    %scan3A_291 = arith.constant 0 : i32
    %scan3A_292 = arith.constant 79 : i32
    %scan3A_293 = arith.addi %scan3A_291, %scan3A_292 : i32
    %scan3A_294 = arith.constant 1 : i32
    scf.for %scan3A_304 = %scan3A_291 to %scan3A_293 step %scan3A_294  : i32 {
      %mul3A_305 = arith.constant 128 : i32
      %mul3A_306 = arith.muli %scan3A_304, %mul3A_305 : i32
      %add3A_307 = arith.addi %mul3A_290, %mul3A_306 : i32
      "tpu.region"() ({
        %run_scoped3A = tpu.sem_alloc : memref<!tpu.dma_semaphore, #tpu.memory_space<semaphore_mem>>
        %dma_start3A = tpu.memref_slice %arg2[%add3A_307] : memref<323584xi32, #tpu.memory_space<hbm>> -> memref<128xi32, #tpu.memory_space<hbm>>
        %dma_start3A_308 = tpu.memref_slice %arg2[%add3A_307] : memref<323584xi32, #tpu.memory_space<hbm>> -> memref<128xi32, #tpu.memory_space<hbm>>
        tpu.enqueue_dma source(%dma_start3A_308 : memref<128xi32, #tpu.memory_space<hbm>>) target(%arg4 : memref<128xi32, #tpu.memory_space<vmem>>) target_semaphore(%run_scoped3A : memref<!tpu.dma_semaphore, #tpu.memory_space<semaphore_mem>>)
        %dma_wait3A = tpu.memref_slice %arg2[%add3A_307] : memref<323584xi32, #tpu.memory_space<hbm>> -> memref<128xi32, #tpu.memory_space<hbm>>
        %dma_wait3A_309 = tpu.memref_slice %arg2[%add3A_307] : memref<323584xi32, #tpu.memory_space<hbm>> -> memref<128xi32, #tpu.memory_space<hbm>>
        tpu.wait_dma2 semaphore(%run_scoped3A : memref<!tpu.dma_semaphore, #tpu.memory_space<semaphore_mem>>) src(%dma_wait3A_309 : memref<128xi32, #tpu.memory_space<hbm>>) dst(%arg4 : memref<128xi32, #tpu.memory_space<vmem>>)
        tpu.yield
      }) : () -> ()
      "tpu.region"() ({
        %run_scoped3A = tpu.sem_alloc : memref<!tpu.dma_semaphore, #tpu.memory_space<semaphore_mem>>
        %dma_start3A = arith.constant 0 : i32
        %dma_start3A_308 = tpu.memref_slice %arg7[%dma_start3A] : memref<10240xf32, #tpu.memory_space<vmem_shared>> -> memref<10240xf32, #tpu.memory_space<vmem_shared>>
        tpu.enqueue_indirect_dma source(%arg5 : memref<128xf32, #tpu.memory_space<vmem>>) target(%dma_start3A_308 : memref<10240xf32, #tpu.memory_space<vmem_shared>>) offsets(%arg4 : memref<128xi32, #tpu.memory_space<vmem>>) semaphore(%run_scoped3A : memref<!tpu.dma_semaphore, #tpu.memory_space<semaphore_mem>>) {add = true}
        %dma_wait3A = arith.constant 0 : i32
        %dma_wait3A_309 = tpu.memref_slice %arg7[%dma_wait3A] : memref<10240xf32, #tpu.memory_space<vmem_shared>> -> memref<10240xf32, #tpu.memory_space<vmem_shared>>
        tpu.wait_indirect_dma semaphore(%run_scoped3A : memref<!tpu.dma_semaphore, #tpu.memory_space<semaphore_mem>>) src(%arg5 : memref<128xf32, #tpu.memory_space<vmem>>) dst(%dma_wait3A_309 : memref<10240xf32, #tpu.memory_space<vmem_shared>>)
        tpu.yield
      }) : () -> ()
    }
    %scan3A_295 = arith.constant 79 : i32
    %barrier3A_296 = arith.constant 0 : index
    tpu.barrier barrier_id(%barrier3A_296)
    %mul3A_297 = arith.constant 640 : i32
    %mul3A_298 = arith.muli %arg1, %mul3A_297 : i32
    %mul3A_299 = arith.constant 10240 : i32
    %mul3A_300 = arith.muli %arg0, %mul3A_299 : i32
    %mul3A_301 = arith.constant 640 : i32
    %mul3A_302 = arith.muli %arg1, %mul3A_301 : i32
    %add3A_303 = arith.addi %mul3A_300, %mul3A_302 : i32
    "tpu.region"() ({
      %run_scoped3A = tpu.sem_alloc : memref<!tpu.dma_semaphore, #tpu.memory_space<semaphore_mem>>
      %dma_start3A = tpu.memref_slice %arg3[%add3A_303] : memref<20480xf32, #tpu.memory_space<hbm>> -> memref<640xf32, #tpu.memory_space<hbm>>
      %dma_start3A_304 = tpu.memref_slice %arg7[%mul3A_298] : memref<10240xf32, #tpu.memory_space<vmem_shared>> -> memref<640xf32, #tpu.memory_space<vmem_shared>>
      tpu.enqueue_dma source(%dma_start3A_304 : memref<640xf32, #tpu.memory_space<vmem_shared>>) target(%dma_start3A : memref<640xf32, #tpu.memory_space<hbm>>) target_semaphore(%run_scoped3A : memref<!tpu.dma_semaphore, #tpu.memory_space<semaphore_mem>>)
      %dma_wait3A = tpu.memref_slice %arg3[%add3A_303] : memref<20480xf32, #tpu.memory_space<hbm>> -> memref<640xf32, #tpu.memory_space<hbm>>
      %dma_wait3A_305 = tpu.memref_slice %arg7[%mul3A_298] : memref<10240xf32, #tpu.memory_space<vmem_shared>> -> memref<640xf32, #tpu.memory_space<vmem_shared>>
      tpu.wait_dma2 semaphore(%run_scoped3A : memref<!tpu.dma_semaphore, #tpu.memory_space<semaphore_mem>>) src(%dma_wait3A_305 : memref<640xf32, #tpu.memory_space<vmem_shared>>) dst(%dma_wait3A : memref<640xf32, #tpu.memory_space<hbm>>)
      tpu.yield
    }) : () -> ()
    return
  }
}

#map = affine_map<(d0, d1) -> (0)>
#map1 = affine_map<(d0, d1) -> (0, 0)>
#map2 = affine_map<(d0, d1) -> (0, 0, 0)>
module attributes {stable_mosaic.version = 14 : i64} {
  func.func @_agg_kernel(%arg0: i32, %arg1: i32, %arg2: memref<323584xi32, #tpu.memory_space<hbm>>, %arg3: memref<323584xi32, #tpu.memory_space<hbm>>, %arg4: memref<10000x128xf32, #tpu.memory_space<hbm>>, %arg5: memref<2x10240x128xf32, #tpu.memory_space<hbm>>, %arg6: memref<128xi32, #tpu.memory_space<vmem>>, %arg7: memref<128xi32, #tpu.memory_space<vmem>>, %arg8: memref<128x128xf32, #tpu.memory_space<vmem>>, %arg9: memref<10240x128xf32, #tpu.memory_space<vmem_shared>>, %arg10: memref<!tpu.dma_semaphore, #tpu.memory_space<semaphore_mem>>) attributes {dimension_semantics = [#tpu.dimension_semantics<core_parallel>, #tpu.dimension_semantics<subcore_parallel>], iteration_bounds = array<i64: 2, 16>, scalar_prefetch = 0 : i64, scratch_operands = 5 : i64, tpu.core_type = #tpu.core_type<sc_vector_subcore>, window_params = [{transform_indices = #map}, {transform_indices = #map}, {transform_indices = #map1}, {transform_indices = #map2}]} {
    %scan3A = arith.constant 0 : i32
    %scan3A_0 = arith.constant 0 : i32
    %scan3A_1 = arith.constant 128 : i32
    %scan3A_2 = arith.addi %scan3A_0, %scan3A_1 : i32
    %scan3A_3 = arith.constant 1 : i32
    scf.for %scan3A_75 = %scan3A_0 to %scan3A_2 step %scan3A_3  : i32 {
      %broadcast_in_dim3A = arith.constant 0.000000e+00 : f32
      %broadcast_in_dim3A_76 = vector.broadcast %broadcast_in_dim3A : f32 to vector<16xf32>
      %swap3A = arith.index_cast %scan3A_75 : i32 to index
      %swap3A_77 = arith.constant 0 : index
      %swap3A_78 = tpu.vector_load %arg8[%swap3A, %swap3A_77] {strides = array<i32>} : memref<128x128xf32, #tpu.memory_space<vmem>>, vector<1x16xf32>,
      %swap3A_79 = vector.shape_cast %swap3A_78 : vector<1x16xf32> to vector<16xf32>
      %swap3A_80 = vector.shape_cast %broadcast_in_dim3A_76 : vector<16xf32> to vector<1x16xf32>
      tpu.vector_store %arg8[%swap3A, %swap3A_77], %swap3A_80 {strides = array<i32>} : memref<128x128xf32, #tpu.memory_space<vmem>>, vector<1x16xf32>,
      %broadcast_in_dim3A_81 = arith.constant 0.000000e+00 : f32
      %broadcast_in_dim3A_82 = vector.broadcast %broadcast_in_dim3A_81 : f32 to vector<16xf32>
      %swap3A_83 = arith.index_cast %scan3A_75 : i32 to index
      %swap3A_84 = arith.constant 16 : index
      %swap3A_85 = tpu.vector_load %arg8[%swap3A_83, %swap3A_84] {strides = array<i32>} : memref<128x128xf32, #tpu.memory_space<vmem>>, vector<1x16xf32>,
      %swap3A_86 = vector.shape_cast %swap3A_85 : vector<1x16xf32> to vector<16xf32>
      %swap3A_87 = vector.shape_cast %broadcast_in_dim3A_82 : vector<16xf32> to vector<1x16xf32>
      tpu.vector_store %arg8[%swap3A_83, %swap3A_84], %swap3A_87 {strides = array<i32>} : memref<128x128xf32, #tpu.memory_space<vmem>>, vector<1x16xf32>,
      %broadcast_in_dim3A_88 = arith.constant 0.000000e+00 : f32
      %broadcast_in_dim3A_89 = vector.broadcast %broadcast_in_dim3A_88 : f32 to vector<16xf32>
      %swap3A_90 = arith.index_cast %scan3A_75 : i32 to index
      %swap3A_91 = arith.constant 32 : index
      %swap3A_92 = tpu.vector_load %arg8[%swap3A_90, %swap3A_91] {strides = array<i32>} : memref<128x128xf32, #tpu.memory_space<vmem>>, vector<1x16xf32>,
      %swap3A_93 = vector.shape_cast %swap3A_92 : vector<1x16xf32> to vector<16xf32>
      %swap3A_94 = vector.shape_cast %broadcast_in_dim3A_89 : vector<16xf32> to vector<1x16xf32>
      tpu.vector_store %arg8[%swap3A_90, %swap3A_91], %swap3A_94 {strides = array<i32>} : memref<128x128xf32, #tpu.memory_space<vmem>>, vector<1x16xf32>,
      %broadcast_in_dim3A_95 = arith.constant 0.000000e+00 : f32
      %broadcast_in_dim3A_96 = vector.broadcast %broadcast_in_dim3A_95 : f32 to vector<16xf32>
      %swap3A_97 = arith.index_cast %scan3A_75 : i32 to index
      %swap3A_98 = arith.constant 48 : index
      %swap3A_99 = tpu.vector_load %arg8[%swap3A_97, %swap3A_98] {strides = array<i32>} : memref<128x128xf32, #tpu.memory_space<vmem>>, vector<1x16xf32>,
      %swap3A_100 = vector.shape_cast %swap3A_99 : vector<1x16xf32> to vector<16xf32>
      %swap3A_101 = vector.shape_cast %broadcast_in_dim3A_96 : vector<16xf32> to vector<1x16xf32>
      tpu.vector_store %arg8[%swap3A_97, %swap3A_98], %swap3A_101 {strides = array<i32>} : memref<128x128xf32, #tpu.memory_space<vmem>>, vector<1x16xf32>,
      %broadcast_in_dim3A_102 = arith.constant 0.000000e+00 : f32
      %broadcast_in_dim3A_103 = vector.broadcast %broadcast_in_dim3A_102 : f32 to vector<16xf32>
      %swap3A_104 = arith.index_cast %scan3A_75 : i32 to index
      %swap3A_105 = arith.constant 64 : index
      %swap3A_106 = tpu.vector_load %arg8[%swap3A_104, %swap3A_105] {strides = array<i32>} : memref<128x128xf32, #tpu.memory_space<vmem>>, vector<1x16xf32>,
      %swap3A_107 = vector.shape_cast %swap3A_106 : vector<1x16xf32> to vector<16xf32>
      %swap3A_108 = vector.shape_cast %broadcast_in_dim3A_103 : vector<16xf32> to vector<1x16xf32>
      tpu.vector_store %arg8[%swap3A_104, %swap3A_105], %swap3A_108 {strides = array<i32>} : memref<128x128xf32, #tpu.memory_space<vmem>>, vector<1x16xf32>,
      %broadcast_in_dim3A_109 = arith.constant 0.000000e+00 : f32
      %broadcast_in_dim3A_110 = vector.broadcast %broadcast_in_dim3A_109 : f32 to vector<16xf32>
      %swap3A_111 = arith.index_cast %scan3A_75 : i32 to index
      %swap3A_112 = arith.constant 80 : index
      %swap3A_113 = tpu.vector_load %arg8[%swap3A_111, %swap3A_112] {strides = array<i32>} : memref<128x128xf32, #tpu.memory_space<vmem>>, vector<1x16xf32>,
      %swap3A_114 = vector.shape_cast %swap3A_113 : vector<1x16xf32> to vector<16xf32>
      %swap3A_115 = vector.shape_cast %broadcast_in_dim3A_110 : vector<16xf32> to vector<1x16xf32>
      tpu.vector_store %arg8[%swap3A_111, %swap3A_112], %swap3A_115 {strides = array<i32>} : memref<128x128xf32, #tpu.memory_space<vmem>>, vector<1x16xf32>,
      %broadcast_in_dim3A_116 = arith.constant 0.000000e+00 : f32
      %broadcast_in_dim3A_117 = vector.broadcast %broadcast_in_dim3A_116 : f32 to vector<16xf32>
      %swap3A_118 = arith.index_cast %scan3A_75 : i32 to index
      %swap3A_119 = arith.constant 96 : index
      %swap3A_120 = tpu.vector_load %arg8[%swap3A_118, %swap3A_119] {strides = array<i32>} : memref<128x128xf32, #tpu.memory_space<vmem>>, vector<1x16xf32>,
      %swap3A_121 = vector.shape_cast %swap3A_120 : vector<1x16xf32> to vector<16xf32>
      %swap3A_122 = vector.shape_cast %broadcast_in_dim3A_117 : vector<16xf32> to vector<1x16xf32>
      tpu.vector_store %arg8[%swap3A_118, %swap3A_119], %swap3A_122 {strides = array<i32>} : memref<128x128xf32, #tpu.memory_space<vmem>>, vector<1x16xf32>,
      %broadcast_in_dim3A_123 = arith.constant 0.000000e+00 : f32
      %broadcast_in_dim3A_124 = vector.broadcast %broadcast_in_dim3A_123 : f32 to vector<16xf32>
      %swap3A_125 = arith.index_cast %scan3A_75 : i32 to index
      %swap3A_126 = arith.constant 112 : index
      %swap3A_127 = tpu.vector_load %arg8[%swap3A_125, %swap3A_126] {strides = array<i32>} : memref<128x128xf32, #tpu.memory_space<vmem>>, vector<1x16xf32>,
      %swap3A_128 = vector.shape_cast %swap3A_127 : vector<1x16xf32> to vector<16xf32>
      %swap3A_129 = vector.shape_cast %broadcast_in_dim3A_124 : vector<16xf32> to vector<1x16xf32>
      tpu.vector_store %arg8[%swap3A_125, %swap3A_126], %swap3A_129 {strides = array<i32>} : memref<128x128xf32, #tpu.memory_space<vmem>>, vector<1x16xf32>,
    }
    %scan3A_4 = arith.constant 128 : i32
    %mul3A = arith.constant 640 : i32
    %mul3A_5 = arith.muli %arg1, %mul3A : i32
    %add3A = arith.constant 0 : i32
    %add3A_6 = arith.addi %mul3A_5, %add3A : i32
    "tpu.region"() ({
      %run_scoped3A = tpu.sem_alloc : memref<!tpu.dma_semaphore, #tpu.memory_space<semaphore_mem>>
      %dma_start3A = arith.constant 0 : i32
      %dma_start3A_75 = tpu.memref_slice %arg9[%add3A_6, %dma_start3A] : memref<10240x128xf32, #tpu.memory_space<vmem_shared>> -> memref<128x128xf32, #tpu.memory_space<vmem_shared>>
      %dma_start3A_76 = arith.constant 0 : i32
      %dma_start3A_77 = tpu.memref_slice %arg9[%add3A_6, %dma_start3A_76] : memref<10240x128xf32, #tpu.memory_space<vmem_shared>> -> memref<128x128xf32, #tpu.memory_space<vmem_shared>>
      tpu.enqueue_dma source(%arg8 : memref<128x128xf32, #tpu.memory_space<vmem>>) target(%dma_start3A_77 : memref<128x128xf32, #tpu.memory_space<vmem_shared>>) target_semaphore(%run_scoped3A : memref<!tpu.dma_semaphore, #tpu.memory_space<semaphore_mem>>)
      %dma_wait3A = arith.constant 0 : i32
      %dma_wait3A_78 = tpu.memref_slice %arg9[%add3A_6, %dma_wait3A] : memref<10240x128xf32, #tpu.memory_space<vmem_shared>> -> memref<128x128xf32, #tpu.memory_space<vmem_shared>>
      %dma_wait3A_79 = arith.constant 0 : i32
      %dma_wait3A_80 = tpu.memref_slice %arg9[%add3A_6, %dma_wait3A_79] : memref<10240x128xf32, #tpu.memory_space<vmem_shared>> -> memref<128x128xf32, #tpu.memory_space<vmem_shared>>
      tpu.wait_dma2 semaphore(%run_scoped3A : memref<!tpu.dma_semaphore, #tpu.memory_space<semaphore_mem>>) src(%arg8 : memref<128x128xf32, #tpu.memory_space<vmem>>) dst(%dma_wait3A_80 : memref<128x128xf32, #tpu.memory_space<vmem_shared>>)
      tpu.yield
    }) : () -> ()
    %mul3A_7 = arith.constant 640 : i32
    %mul3A_8 = arith.muli %arg1, %mul3A_7 : i32
    %add3A_9 = arith.constant 128 : i32
    %add3A_10 = arith.addi %mul3A_8, %add3A_9 : i32
    "tpu.region"() ({
      %run_scoped3A = tpu.sem_alloc : memref<!tpu.dma_semaphore, #tpu.memory_space<semaphore_mem>>
      %dma_start3A = arith.constant 0 : i32
      %dma_start3A_75 = tpu.memref_slice %arg9[%add3A_10, %dma_start3A] : memref<10240x128xf32, #tpu.memory_space<vmem_shared>> -> memref<128x128xf32, #tpu.memory_space<vmem_shared>>
      %dma_start3A_76 = arith.constant 0 : i32
      %dma_start3A_77 = tpu.memref_slice %arg9[%add3A_10, %dma_start3A_76] : memref<10240x128xf32, #tpu.memory_space<vmem_shared>> -> memref<128x128xf32, #tpu.memory_space<vmem_shared>>
      tpu.enqueue_dma source(%arg8 : memref<128x128xf32, #tpu.memory_space<vmem>>) target(%dma_start3A_77 : memref<128x128xf32, #tpu.memory_space<vmem_shared>>) target_semaphore(%run_scoped3A : memref<!tpu.dma_semaphore, #tpu.memory_space<semaphore_mem>>)
      %dma_wait3A = arith.constant 0 : i32
      %dma_wait3A_78 = tpu.memref_slice %arg9[%add3A_10, %dma_wait3A] : memref<10240x128xf32, #tpu.memory_space<vmem_shared>> -> memref<128x128xf32, #tpu.memory_space<vmem_shared>>
      %dma_wait3A_79 = arith.constant 0 : i32
      %dma_wait3A_80 = tpu.memref_slice %arg9[%add3A_10, %dma_wait3A_79] : memref<10240x128xf32, #tpu.memory_space<vmem_shared>> -> memref<128x128xf32, #tpu.memory_space<vmem_shared>>
      tpu.wait_dma2 semaphore(%run_scoped3A : memref<!tpu.dma_semaphore, #tpu.memory_space<semaphore_mem>>) src(%arg8 : memref<128x128xf32, #tpu.memory_space<vmem>>) dst(%dma_wait3A_80 : memref<128x128xf32, #tpu.memory_space<vmem_shared>>)
      tpu.yield
    }) : () -> ()
    %mul3A_11 = arith.constant 640 : i32
    %mul3A_12 = arith.muli %arg1, %mul3A_11 : i32
    %add3A_13 = arith.constant 256 : i32
    %add3A_14 = arith.addi %mul3A_12, %add3A_13 : i32
    "tpu.region"() ({
      %run_scoped3A = tpu.sem_alloc : memref<!tpu.dma_semaphore, #tpu.memory_space<semaphore_mem>>
      %dma_start3A = arith.constant 0 : i32
      %dma_start3A_75 = tpu.memref_slice %arg9[%add3A_14, %dma_start3A] : memref<10240x128xf32, #tpu.memory_space<vmem_shared>> -> memref<128x128xf32, #tpu.memory_space<vmem_shared>>
      %dma_start3A_76 = arith.constant 0 : i32
      %dma_start3A_77 = tpu.memref_slice %arg9[%add3A_14, %dma_start3A_76] : memref<10240x128xf32, #tpu.memory_space<vmem_shared>> -> memref<128x128xf32, #tpu.memory_space<vmem_shared>>
      tpu.enqueue_dma source(%arg8 : memref<128x128xf32, #tpu.memory_space<vmem>>) target(%dma_start3A_77 : memref<128x128xf32, #tpu.memory_space<vmem_shared>>) target_semaphore(%run_scoped3A : memref<!tpu.dma_semaphore, #tpu.memory_space<semaphore_mem>>)
      %dma_wait3A = arith.constant 0 : i32
      %dma_wait3A_78 = tpu.memref_slice %arg9[%add3A_14, %dma_wait3A] : memref<10240x128xf32, #tpu.memory_space<vmem_shared>> -> memref<128x128xf32, #tpu.memory_space<vmem_shared>>
      %dma_wait3A_79 = arith.constant 0 : i32
      %dma_wait3A_80 = tpu.memref_slice %arg9[%add3A_14, %dma_wait3A_79] : memref<10240x128xf32, #tpu.memory_space<vmem_shared>> -> memref<128x128xf32, #tpu.memory_space<vmem_shared>>
      tpu.wait_dma2 semaphore(%run_scoped3A : memref<!tpu.dma_semaphore, #tpu.memory_space<semaphore_mem>>) src(%arg8 : memref<128x128xf32, #tpu.memory_space<vmem>>) dst(%dma_wait3A_80 : memref<128x128xf32, #tpu.memory_space<vmem_shared>>)
      tpu.yield
    }) : () -> ()
    %mul3A_15 = arith.constant 640 : i32
    %mul3A_16 = arith.muli %arg1, %mul3A_15 : i32
    %add3A_17 = arith.constant 384 : i32
    %add3A_18 = arith.addi %mul3A_16, %add3A_17 : i32
    "tpu.region"() ({
      %run_scoped3A = tpu.sem_alloc : memref<!tpu.dma_semaphore, #tpu.memory_space<semaphore_mem>>
      %dma_start3A = arith.constant 0 : i32
      %dma_start3A_75 = tpu.memref_slice %arg9[%add3A_18, %dma_start3A] : memref<10240x128xf32, #tpu.memory_space<vmem_shared>> -> memref<128x128xf32, #tpu.memory_space<vmem_shared>>
      %dma_start3A_76 = arith.constant 0 : i32
      %dma_start3A_77 = tpu.memref_slice %arg9[%add3A_18, %dma_start3A_76] : memref<10240x128xf32, #tpu.memory_space<vmem_shared>> -> memref<128x128xf32, #tpu.memory_space<vmem_shared>>
      tpu.enqueue_dma source(%arg8 : memref<128x128xf32, #tpu.memory_space<vmem>>) target(%dma_start3A_77 : memref<128x128xf32, #tpu.memory_space<vmem_shared>>) target_semaphore(%run_scoped3A : memref<!tpu.dma_semaphore, #tpu.memory_space<semaphore_mem>>)
      %dma_wait3A = arith.constant 0 : i32
      %dma_wait3A_78 = tpu.memref_slice %arg9[%add3A_18, %dma_wait3A] : memref<10240x128xf32, #tpu.memory_space<vmem_shared>> -> memref<128x128xf32, #tpu.memory_space<vmem_shared>>
      %dma_wait3A_79 = arith.constant 0 : i32
      %dma_wait3A_80 = tpu.memref_slice %arg9[%add3A_18, %dma_wait3A_79] : memref<10240x128xf32, #tpu.memory_space<vmem_shared>> -> memref<128x128xf32, #tpu.memory_space<vmem_shared>>
      tpu.wait_dma2 semaphore(%run_scoped3A : memref<!tpu.dma_semaphore, #tpu.memory_space<semaphore_mem>>) src(%arg8 : memref<128x128xf32, #tpu.memory_space<vmem>>) dst(%dma_wait3A_80 : memref<128x128xf32, #tpu.memory_space<vmem_shared>>)
      tpu.yield
    }) : () -> ()
    %mul3A_19 = arith.constant 640 : i32
    %mul3A_20 = arith.muli %arg1, %mul3A_19 : i32
    %add3A_21 = arith.constant 512 : i32
    %add3A_22 = arith.addi %mul3A_20, %add3A_21 : i32
    "tpu.region"() ({
      %run_scoped3A = tpu.sem_alloc : memref<!tpu.dma_semaphore, #tpu.memory_space<semaphore_mem>>
      %dma_start3A = arith.constant 0 : i32
      %dma_start3A_75 = tpu.memref_slice %arg9[%add3A_22, %dma_start3A] : memref<10240x128xf32, #tpu.memory_space<vmem_shared>> -> memref<128x128xf32, #tpu.memory_space<vmem_shared>>
      %dma_start3A_76 = arith.constant 0 : i32
      %dma_start3A_77 = tpu.memref_slice %arg9[%add3A_22, %dma_start3A_76] : memref<10240x128xf32, #tpu.memory_space<vmem_shared>> -> memref<128x128xf32, #tpu.memory_space<vmem_shared>>
      tpu.enqueue_dma source(%arg8 : memref<128x128xf32, #tpu.memory_space<vmem>>) target(%dma_start3A_77 : memref<128x128xf32, #tpu.memory_space<vmem_shared>>) target_semaphore(%run_scoped3A : memref<!tpu.dma_semaphore, #tpu.memory_space<semaphore_mem>>)
      %dma_wait3A = arith.constant 0 : i32
      %dma_wait3A_78 = tpu.memref_slice %arg9[%add3A_22, %dma_wait3A] : memref<10240x128xf32, #tpu.memory_space<vmem_shared>> -> memref<128x128xf32, #tpu.memory_space<vmem_shared>>
      %dma_wait3A_79 = arith.constant 0 : i32
      %dma_wait3A_80 = tpu.memref_slice %arg9[%add3A_22, %dma_wait3A_79] : memref<10240x128xf32, #tpu.memory_space<vmem_shared>> -> memref<128x128xf32, #tpu.memory_space<vmem_shared>>
      tpu.wait_dma2 semaphore(%run_scoped3A : memref<!tpu.dma_semaphore, #tpu.memory_space<semaphore_mem>>) src(%arg8 : memref<128x128xf32, #tpu.memory_space<vmem>>) dst(%dma_wait3A_80 : memref<128x128xf32, #tpu.memory_space<vmem_shared>>)
      tpu.yield
    }) : () -> ()
    %barrier3A = arith.constant 0 : index
    tpu.barrier barrier_id(%barrier3A)
    %mul3A_23 = arith.constant 16 : i32
    %mul3A_24 = arith.muli %arg0, %mul3A_23 : i32
    %add3A_25 = arith.addi %mul3A_24, %arg1 : i32
    %mul3A_26 = arith.constant 10112 : i32
    %mul3A_27 = arith.muli %add3A_25, %mul3A_26 : i32
    %scan3A_28 = arith.constant 0 : i32
    %scan3A_29 = arith.constant 0 : i32
    %scan3A_30 = arith.constant 79 : i32
    %scan3A_31 = arith.addi %scan3A_29, %scan3A_30 : i32
    %scan3A_32 = arith.constant 1 : i32
    scf.for %scan3A_75 = %scan3A_29 to %scan3A_31 step %scan3A_32  : i32 {
      %mul3A_76 = arith.constant 128 : i32
      %mul3A_77 = arith.muli %scan3A_75, %mul3A_76 : i32
      %add3A_78 = arith.addi %mul3A_27, %mul3A_77 : i32
      "tpu.region"() ({
        %run_scoped3A = tpu.sem_alloc : memref<!tpu.dma_semaphore, #tpu.memory_space<semaphore_mem>>
        %dma_start3A_83 = tpu.memref_slice %arg2[%add3A_78] : memref<323584xi32, #tpu.memory_space<hbm>> -> memref<128xi32, #tpu.memory_space<hbm>>
        %dma_start3A_84 = tpu.memref_slice %arg2[%add3A_78] : memref<323584xi32, #tpu.memory_space<hbm>> -> memref<128xi32, #tpu.memory_space<hbm>>
        tpu.enqueue_dma source(%dma_start3A_84 : memref<128xi32, #tpu.memory_space<hbm>>) target(%arg6 : memref<128xi32, #tpu.memory_space<vmem>>) target_semaphore(%run_scoped3A : memref<!tpu.dma_semaphore, #tpu.memory_space<semaphore_mem>>)
        %dma_wait3A_85 = tpu.memref_slice %arg2[%add3A_78] : memref<323584xi32, #tpu.memory_space<hbm>> -> memref<128xi32, #tpu.memory_space<hbm>>
        %dma_wait3A_86 = tpu.memref_slice %arg2[%add3A_78] : memref<323584xi32, #tpu.memory_space<hbm>> -> memref<128xi32, #tpu.memory_space<hbm>>
        tpu.wait_dma2 semaphore(%run_scoped3A : memref<!tpu.dma_semaphore, #tpu.memory_space<semaphore_mem>>) src(%dma_wait3A_86 : memref<128xi32, #tpu.memory_space<hbm>>) dst(%arg6 : memref<128xi32, #tpu.memory_space<vmem>>)
        tpu.yield
      }) : () -> ()
      "tpu.region"() ({
        %run_scoped3A = tpu.sem_alloc : memref<!tpu.dma_semaphore, #tpu.memory_space<semaphore_mem>>
        %dma_start3A_83 = tpu.memref_slice %arg3[%add3A_78] : memref<323584xi32, #tpu.memory_space<hbm>> -> memref<128xi32, #tpu.memory_space<hbm>>
        %dma_start3A_84 = tpu.memref_slice %arg3[%add3A_78] : memref<323584xi32, #tpu.memory_space<hbm>> -> memref<128xi32, #tpu.memory_space<hbm>>
        tpu.enqueue_dma source(%dma_start3A_84 : memref<128xi32, #tpu.memory_space<hbm>>) target(%arg7 : memref<128xi32, #tpu.memory_space<vmem>>) target_semaphore(%run_scoped3A : memref<!tpu.dma_semaphore, #tpu.memory_space<semaphore_mem>>)
        %dma_wait3A_85 = tpu.memref_slice %arg3[%add3A_78] : memref<323584xi32, #tpu.memory_space<hbm>> -> memref<128xi32, #tpu.memory_space<hbm>>
        %dma_wait3A_86 = tpu.memref_slice %arg3[%add3A_78] : memref<323584xi32, #tpu.memory_space<hbm>> -> memref<128xi32, #tpu.memory_space<hbm>>
        tpu.wait_dma2 semaphore(%run_scoped3A : memref<!tpu.dma_semaphore, #tpu.memory_space<semaphore_mem>>) src(%dma_wait3A_86 : memref<128xi32, #tpu.memory_space<hbm>>) dst(%arg7 : memref<128xi32, #tpu.memory_space<vmem>>)
        tpu.yield
      }) : () -> ()
      %dma_start3A = arith.constant 0 : i32
      %dma_start3A_79 = arith.constant 0 : i32
      %dma_start3A_80 = tpu.memref_slice %arg4[%dma_start3A, %dma_start3A_79] : memref<10000x128xf32, #tpu.memory_space<hbm>> -> memref<10000x128xf32, #tpu.memory_space<hbm>>
      tpu.enqueue_indirect_dma source(%dma_start3A_80 : memref<10000x128xf32, #tpu.memory_space<hbm>>) target(%arg8 : memref<128x128xf32, #tpu.memory_space<vmem>>) offsets(%arg6 : memref<128xi32, #tpu.memory_space<vmem>>) semaphore(%arg10 : memref<!tpu.dma_semaphore, #tpu.memory_space<semaphore_mem>>)
      %dma_wait3A = arith.constant 0 : i32
      %dma_wait3A_81 = arith.constant 0 : i32
      %dma_wait3A_82 = tpu.memref_slice %arg4[%dma_wait3A, %dma_wait3A_81] : memref<10000x128xf32, #tpu.memory_space<hbm>> -> memref<10000x128xf32, #tpu.memory_space<hbm>>
      tpu.wait_indirect_dma semaphore(%arg10 : memref<!tpu.dma_semaphore, #tpu.memory_space<semaphore_mem>>) src(%dma_wait3A_82 : memref<10000x128xf32, #tpu.memory_space<hbm>>) dst(%arg8 : memref<128x128xf32, #tpu.memory_space<vmem>>)
      "tpu.region"() ({
        %run_scoped3A = tpu.sem_alloc : memref<!tpu.dma_semaphore, #tpu.memory_space<semaphore_mem>>
        %dma_start3A_83 = arith.constant 0 : i32
        %dma_start3A_84 = arith.constant 0 : i32
        %dma_start3A_85 = tpu.memref_slice %arg9[%dma_start3A_83, %dma_start3A_84] : memref<10240x128xf32, #tpu.memory_space<vmem_shared>> -> memref<10240x128xf32, #tpu.memory_space<vmem_shared>>
        tpu.enqueue_indirect_dma source(%arg8 : memref<128x128xf32, #tpu.memory_space<vmem>>) target(%dma_start3A_85 : memref<10240x128xf32, #tpu.memory_space<vmem_shared>>) offsets(%arg7 : memref<128xi32, #tpu.memory_space<vmem>>) semaphore(%run_scoped3A : memref<!tpu.dma_semaphore, #tpu.memory_space<semaphore_mem>>) {add = true}
        %dma_wait3A_86 = arith.constant 0 : i32
        %dma_wait3A_87 = arith.constant 0 : i32
        %dma_wait3A_88 = tpu.memref_slice %arg9[%dma_wait3A_86, %dma_wait3A_87] : memref<10240x128xf32, #tpu.memory_space<vmem_shared>> -> memref<10240x128xf32, #tpu.memory_space<vmem_shared>>
        tpu.wait_indirect_dma semaphore(%run_scoped3A : memref<!tpu.dma_semaphore, #tpu.memory_space<semaphore_mem>>) src(%arg8 : memref<128x128xf32, #tpu.memory_space<vmem>>) dst(%dma_wait3A_88 : memref<10240x128xf32, #tpu.memory_space<vmem_shared>>)
        tpu.yield
      }) : () -> ()
    }
    %scan3A_33 = arith.constant 79 : i32
    %barrier3A_34 = arith.constant 0 : index
    tpu.barrier barrier_id(%barrier3A_34)
    %mul3A_35 = arith.constant 640 : i32
    %mul3A_36 = arith.muli %arg1, %mul3A_35 : i32
    %add3A_37 = arith.constant 0 : i32
    %add3A_38 = arith.addi %mul3A_36, %add3A_37 : i32
    %mul3A_39 = arith.constant 640 : i32
    %mul3A_40 = arith.muli %arg1, %mul3A_39 : i32
    %add3A_41 = arith.constant 0 : i32
    %add3A_42 = arith.addi %mul3A_40, %add3A_41 : i32
    "tpu.region"() ({
      %run_scoped3A = tpu.sem_alloc : memref<!tpu.dma_semaphore, #tpu.memory_space<semaphore_mem>>
      %dma_start3A = arith.constant 0 : i32
      %dma_start3A_75 = tpu.memref_slice %arg5[%arg0, %add3A_42, %dma_start3A] : memref<2x10240x128xf32, #tpu.memory_space<hbm>> -> memref<1x128x128xf32, #tpu.memory_space<hbm>>
      %dma_start3A_76 = tpu.memref_squeeze %dma_start3A_75 : memref<1x128x128xf32, #tpu.memory_space<hbm>> -> memref<128x128xf32, #tpu.memory_space<hbm>>
      %dma_start3A_77 = arith.constant 0 : i32
      %dma_start3A_78 = tpu.memref_slice %arg9[%add3A_38, %dma_start3A_77] : memref<10240x128xf32, #tpu.memory_space<vmem_shared>> -> memref<128x128xf32, #tpu.memory_space<vmem_shared>>
      tpu.enqueue_dma source(%dma_start3A_78 : memref<128x128xf32, #tpu.memory_space<vmem_shared>>) target(%dma_start3A_76 : memref<128x128xf32, #tpu.memory_space<hbm>>) target_semaphore(%run_scoped3A : memref<!tpu.dma_semaphore, #tpu.memory_space<semaphore_mem>>)
      %dma_wait3A = arith.constant 0 : i32
      %dma_wait3A_79 = tpu.memref_slice %arg5[%arg0, %add3A_42, %dma_wait3A] : memref<2x10240x128xf32, #tpu.memory_space<hbm>> -> memref<1x128x128xf32, #tpu.memory_space<hbm>>
      %dma_wait3A_80 = tpu.memref_squeeze %dma_wait3A_79 : memref<1x128x128xf32, #tpu.memory_space<hbm>> -> memref<128x128xf32, #tpu.memory_space<hbm>>
      %dma_wait3A_81 = arith.constant 0 : i32
      %dma_wait3A_82 = tpu.memref_slice %arg9[%add3A_38, %dma_wait3A_81] : memref<10240x128xf32, #tpu.memory_space<vmem_shared>> -> memref<128x128xf32, #tpu.memory_space<vmem_shared>>
      tpu.wait_dma2 semaphore(%run_scoped3A : memref<!tpu.dma_semaphore, #tpu.memory_space<semaphore_mem>>) src(%dma_wait3A_82 : memref<128x128xf32, #tpu.memory_space<vmem_shared>>) dst(%dma_wait3A_80 : memref<128x128xf32, #tpu.memory_space<hbm>>)
      tpu.yield
    }) : () -> ()
    %mul3A_43 = arith.constant 640 : i32
    %mul3A_44 = arith.muli %arg1, %mul3A_43 : i32
    %add3A_45 = arith.constant 128 : i32
    %add3A_46 = arith.addi %mul3A_44, %add3A_45 : i32
    %mul3A_47 = arith.constant 640 : i32
    %mul3A_48 = arith.muli %arg1, %mul3A_47 : i32
    %add3A_49 = arith.constant 128 : i32
    %add3A_50 = arith.addi %mul3A_48, %add3A_49 : i32
    "tpu.region"() ({
      %run_scoped3A = tpu.sem_alloc : memref<!tpu.dma_semaphore, #tpu.memory_space<semaphore_mem>>
      %dma_start3A = arith.constant 0 : i32
      %dma_start3A_75 = tpu.memref_slice %arg5[%arg0, %add3A_50, %dma_start3A] : memref<2x10240x128xf32, #tpu.memory_space<hbm>> -> memref<1x128x128xf32, #tpu.memory_space<hbm>>
      %dma_start3A_76 = tpu.memref_squeeze %dma_start3A_75 : memref<1x128x128xf32, #tpu.memory_space<hbm>> -> memref<128x128xf32, #tpu.memory_space<hbm>>
      %dma_start3A_77 = arith.constant 0 : i32
      %dma_start3A_78 = tpu.memref_slice %arg9[%add3A_46, %dma_start3A_77] : memref<10240x128xf32, #tpu.memory_space<vmem_shared>> -> memref<128x128xf32, #tpu.memory_space<vmem_shared>>
      tpu.enqueue_dma source(%dma_start3A_78 : memref<128x128xf32, #tpu.memory_space<vmem_shared>>) target(%dma_start3A_76 : memref<128x128xf32, #tpu.memory_space<hbm>>) target_semaphore(%run_scoped3A : memref<!tpu.dma_semaphore, #tpu.memory_space<semaphore_mem>>)
      %dma_wait3A = arith.constant 0 : i32
      %dma_wait3A_79 = tpu.memref_slice %arg5[%arg0, %add3A_50, %dma_wait3A] : memref<2x10240x128xf32, #tpu.memory_space<hbm>> -> memref<1x128x128xf32, #tpu.memory_space<hbm>>
      %dma_wait3A_80 = tpu.memref_squeeze %dma_wait3A_79 : memref<1x128x128xf32, #tpu.memory_space<hbm>> -> memref<128x128xf32, #tpu.memory_space<hbm>>
      %dma_wait3A_81 = arith.constant 0 : i32
      %dma_wait3A_82 = tpu.memref_slice %arg9[%add3A_46, %dma_wait3A_81] : memref<10240x128xf32, #tpu.memory_space<vmem_shared>> -> memref<128x128xf32, #tpu.memory_space<vmem_shared>>
      tpu.wait_dma2 semaphore(%run_scoped3A : memref<!tpu.dma_semaphore, #tpu.memory_space<semaphore_mem>>) src(%dma_wait3A_82 : memref<128x128xf32, #tpu.memory_space<vmem_shared>>) dst(%dma_wait3A_80 : memref<128x128xf32, #tpu.memory_space<hbm>>)
      tpu.yield
    }) : () -> ()
    %mul3A_51 = arith.constant 640 : i32
    %mul3A_52 = arith.muli %arg1, %mul3A_51 : i32
    %add3A_53 = arith.constant 256 : i32
    %add3A_54 = arith.addi %mul3A_52, %add3A_53 : i32
    %mul3A_55 = arith.constant 640 : i32
    %mul3A_56 = arith.muli %arg1, %mul3A_55 : i32
    %add3A_57 = arith.constant 256 : i32
    %add3A_58 = arith.addi %mul3A_56, %add3A_57 : i32
    "tpu.region"() ({
      %run_scoped3A = tpu.sem_alloc : memref<!tpu.dma_semaphore, #tpu.memory_space<semaphore_mem>>
      %dma_start3A = arith.constant 0 : i32
      %dma_start3A_75 = tpu.memref_slice %arg5[%arg0, %add3A_58, %dma_start3A] : memref<2x10240x128xf32, #tpu.memory_space<hbm>> -> memref<1x128x128xf32, #tpu.memory_space<hbm>>
      %dma_start3A_76 = tpu.memref_squeeze %dma_start3A_75 : memref<1x128x128xf32, #tpu.memory_space<hbm>> -> memref<128x128xf32, #tpu.memory_space<hbm>>
      %dma_start3A_77 = arith.constant 0 : i32
      %dma_start3A_78 = tpu.memref_slice %arg9[%add3A_54, %dma_start3A_77] : memref<10240x128xf32, #tpu.memory_space<vmem_shared>> -> memref<128x128xf32, #tpu.memory_space<vmem_shared>>
      tpu.enqueue_dma source(%dma_start3A_78 : memref<128x128xf32, #tpu.memory_space<vmem_shared>>) target(%dma_start3A_76 : memref<128x128xf32, #tpu.memory_space<hbm>>) target_semaphore(%run_scoped3A : memref<!tpu.dma_semaphore, #tpu.memory_space<semaphore_mem>>)
      %dma_wait3A = arith.constant 0 : i32
      %dma_wait3A_79 = tpu.memref_slice %arg5[%arg0, %add3A_58, %dma_wait3A] : memref<2x10240x128xf32, #tpu.memory_space<hbm>> -> memref<1x128x128xf32, #tpu.memory_space<hbm>>
      %dma_wait3A_80 = tpu.memref_squeeze %dma_wait3A_79 : memref<1x128x128xf32, #tpu.memory_space<hbm>> -> memref<128x128xf32, #tpu.memory_space<hbm>>
      %dma_wait3A_81 = arith.constant 0 : i32
      %dma_wait3A_82 = tpu.memref_slice %arg9[%add3A_54, %dma_wait3A_81] : memref<10240x128xf32, #tpu.memory_space<vmem_shared>> -> memref<128x128xf32, #tpu.memory_space<vmem_shared>>
      tpu.wait_dma2 semaphore(%run_scoped3A : memref<!tpu.dma_semaphore, #tpu.memory_space<semaphore_mem>>) src(%dma_wait3A_82 : memref<128x128xf32, #tpu.memory_space<vmem_shared>>) dst(%dma_wait3A_80 : memref<128x128xf32, #tpu.memory_space<hbm>>)
      tpu.yield
    }) : () -> ()
    %mul3A_59 = arith.constant 640 : i32
    %mul3A_60 = arith.muli %arg1, %mul3A_59 : i32
    %add3A_61 = arith.constant 384 : i32
    %add3A_62 = arith.addi %mul3A_60, %add3A_61 : i32
    %mul3A_63 = arith.constant 640 : i32
    %mul3A_64 = arith.muli %arg1, %mul3A_63 : i32
    %add3A_65 = arith.constant 384 : i32
    %add3A_66 = arith.addi %mul3A_64, %add3A_65 : i32
    "tpu.region"() ({
      %run_scoped3A = tpu.sem_alloc : memref<!tpu.dma_semaphore, #tpu.memory_space<semaphore_mem>>
      %dma_start3A = arith.constant 0 : i32
      %dma_start3A_75 = tpu.memref_slice %arg5[%arg0, %add3A_66, %dma_start3A] : memref<2x10240x128xf32, #tpu.memory_space<hbm>> -> memref<1x128x128xf32, #tpu.memory_space<hbm>>
      %dma_start3A_76 = tpu.memref_squeeze %dma_start3A_75 : memref<1x128x128xf32, #tpu.memory_space<hbm>> -> memref<128x128xf32, #tpu.memory_space<hbm>>
      %dma_start3A_77 = arith.constant 0 : i32
      %dma_start3A_78 = tpu.memref_slice %arg9[%add3A_62, %dma_start3A_77] : memref<10240x128xf32, #tpu.memory_space<vmem_shared>> -> memref<128x128xf32, #tpu.memory_space<vmem_shared>>
      tpu.enqueue_dma source(%dma_start3A_78 : memref<128x128xf32, #tpu.memory_space<vmem_shared>>) target(%dma_start3A_76 : memref<128x128xf32, #tpu.memory_space<hbm>>) target_semaphore(%run_scoped3A : memref<!tpu.dma_semaphore, #tpu.memory_space<semaphore_mem>>)
      %dma_wait3A = arith.constant 0 : i32
      %dma_wait3A_79 = tpu.memref_slice %arg5[%arg0, %add3A_66, %dma_wait3A] : memref<2x10240x128xf32, #tpu.memory_space<hbm>> -> memref<1x128x128xf32, #tpu.memory_space<hbm>>
      %dma_wait3A_80 = tpu.memref_squeeze %dma_wait3A_79 : memref<1x128x128xf32, #tpu.memory_space<hbm>> -> memref<128x128xf32, #tpu.memory_space<hbm>>
      %dma_wait3A_81 = arith.constant 0 : i32
      %dma_wait3A_82 = tpu.memref_slice %arg9[%add3A_62, %dma_wait3A_81] : memref<10240x128xf32, #tpu.memory_space<vmem_shared>> -> memref<128x128xf32, #tpu.memory_space<vmem_shared>>
      tpu.wait_dma2 semaphore(%run_scoped3A : memref<!tpu.dma_semaphore, #tpu.memory_space<semaphore_mem>>) src(%dma_wait3A_82 : memref<128x128xf32, #tpu.memory_space<vmem_shared>>) dst(%dma_wait3A_80 : memref<128x128xf32, #tpu.memory_space<hbm>>)
      tpu.yield
    }) : () -> ()
    %mul3A_67 = arith.constant 640 : i32
    %mul3A_68 = arith.muli %arg1, %mul3A_67 : i32
    %add3A_69 = arith.constant 512 : i32
    %add3A_70 = arith.addi %mul3A_68, %add3A_69 : i32
    %mul3A_71 = arith.constant 640 : i32
    %mul3A_72 = arith.muli %arg1, %mul3A_71 : i32
    %add3A_73 = arith.constant 512 : i32
    %add3A_74 = arith.addi %mul3A_72, %add3A_73 : i32
    "tpu.region"() ({
      %run_scoped3A = tpu.sem_alloc : memref<!tpu.dma_semaphore, #tpu.memory_space<semaphore_mem>>
      %dma_start3A = arith.constant 0 : i32
      %dma_start3A_75 = tpu.memref_slice %arg5[%arg0, %add3A_74, %dma_start3A] : memref<2x10240x128xf32, #tpu.memory_space<hbm>> -> memref<1x128x128xf32, #tpu.memory_space<hbm>>
      %dma_start3A_76 = tpu.memref_squeeze %dma_start3A_75 : memref<1x128x128xf32, #tpu.memory_space<hbm>> -> memref<128x128xf32, #tpu.memory_space<hbm>>
      %dma_start3A_77 = arith.constant 0 : i32
      %dma_start3A_78 = tpu.memref_slice %arg9[%add3A_70, %dma_start3A_77] : memref<10240x128xf32, #tpu.memory_space<vmem_shared>> -> memref<128x128xf32, #tpu.memory_space<vmem_shared>>
      tpu.enqueue_dma source(%dma_start3A_78 : memref<128x128xf32, #tpu.memory_space<vmem_shared>>) target(%dma_start3A_76 : memref<128x128xf32, #tpu.memory_space<hbm>>) target_semaphore(%run_scoped3A : memref<!tpu.dma_semaphore, #tpu.memory_space<semaphore_mem>>)
      %dma_wait3A = arith.constant 0 : i32
      %dma_wait3A_79 = tpu.memref_slice %arg5[%arg0, %add3A_74, %dma_wait3A] : memref<2x10240x128xf32, #tpu.memory_space<hbm>> -> memref<1x128x128xf32, #tpu.memory_space<hbm>>
      %dma_wait3A_80 = tpu.memref_squeeze %dma_wait3A_79 : memref<1x128x128xf32, #tpu.memory_space<hbm>> -> memref<128x128xf32, #tpu.memory_space<hbm>>
      %dma_wait3A_81 = arith.constant 0 : i32
      %dma_wait3A_82 = tpu.memref_slice %arg9[%add3A_70, %dma_wait3A_81] : memref<10240x128xf32, #tpu.memory_space<vmem_shared>> -> memref<128x128xf32, #tpu.memory_space<vmem_shared>>
      tpu.wait_dma2 semaphore(%run_scoped3A : memref<!tpu.dma_semaphore, #tpu.memory_space<semaphore_mem>>) src(%dma_wait3A_82 : memref<128x128xf32, #tpu.memory_space<vmem_shared>>) dst(%dma_wait3A_80 : memref<128x128xf32, #tpu.memory_space<hbm>>)
      tpu.yield
    }) : () -> ()
    return
  }
}

#map = affine_map<(d0, d1) -> (0)>
#map1 = affine_map<(d0, d1) -> (0, 0)>
#map2 = affine_map<(d0, d1) -> (0, 0, 0)>
module attributes {stable_mosaic.version = 14 : i64} {
  func.func @_agg_kernel(%arg0: i32, %arg1: i32, %arg2: memref<323584xi32, #tpu.memory_space<hbm>>, %arg3: memref<323584xi32, #tpu.memory_space<hbm>>, %arg4: memref<10000x128xf32, #tpu.memory_space<hbm>>, %arg5: memref<2x10240x128xf32, #tpu.memory_space<hbm>>, %arg6: memref<128xi32, #tpu.memory_space<vmem>>, %arg7: memref<128xi32, #tpu.memory_space<vmem>>, %arg8: memref<128x128xf32, #tpu.memory_space<vmem>>, %arg9: memref<10240x128xf32, #tpu.memory_space<vmem_shared>>, %arg10: memref<!tpu.dma_semaphore, #tpu.memory_space<semaphore_mem>>) attributes {dimension_semantics = [#tpu.dimension_semantics<core_parallel>, #tpu.dimension_semantics<subcore_parallel>], iteration_bounds = array<i64: 2, 16>, scalar_prefetch = 0 : i64, scratch_operands = 5 : i64, tpu.core_type = #tpu.core_type<sc_vector_subcore>, window_params = [{transform_indices = #map}, {transform_indices = #map}, {transform_indices = #map1}, {transform_indices = #map2}]} {
    %scan3A = arith.constant 0 : i32
    %scan3A_0 = arith.constant 0 : i32
    %scan3A_1 = arith.constant 128 : i32
    %scan3A_2 = arith.addi %scan3A_0, %scan3A_1 : i32
    %scan3A_3 = arith.constant 1 : i32
    scf.for %scan3A_75 = %scan3A_0 to %scan3A_2 step %scan3A_3  : i32 {
      %broadcast_in_dim3A = arith.constant 0.000000e+00 : f32
      %broadcast_in_dim3A_76 = vector.broadcast %broadcast_in_dim3A : f32 to vector<16xf32>
      %swap3A = arith.index_cast %scan3A_75 : i32 to index
      %swap3A_77 = arith.constant 0 : index
      %swap3A_78 = tpu.vector_load %arg8[%swap3A, %swap3A_77] {strides = array<i32>} : memref<128x128xf32, #tpu.memory_space<vmem>>, vector<1x16xf32>,
      %swap3A_79 = vector.shape_cast %swap3A_78 : vector<1x16xf32> to vector<16xf32>
      %swap3A_80 = vector.shape_cast %broadcast_in_dim3A_76 : vector<16xf32> to vector<1x16xf32>
      tpu.vector_store %arg8[%swap3A, %swap3A_77], %swap3A_80 {strides = array<i32>} : memref<128x128xf32, #tpu.memory_space<vmem>>, vector<1x16xf32>,
      %broadcast_in_dim3A_81 = arith.constant 0.000000e+00 : f32
      %broadcast_in_dim3A_82 = vector.broadcast %broadcast_in_dim3A_81 : f32 to vector<16xf32>
      %swap3A_83 = arith.index_cast %scan3A_75 : i32 to index
      %swap3A_84 = arith.constant 16 : index
      %swap3A_85 = tpu.vector_load %arg8[%swap3A_83, %swap3A_84] {strides = array<i32>} : memref<128x128xf32, #tpu.memory_space<vmem>>, vector<1x16xf32>,
      %swap3A_86 = vector.shape_cast %swap3A_85 : vector<1x16xf32> to vector<16xf32>
      %swap3A_87 = vector.shape_cast %broadcast_in_dim3A_82 : vector<16xf32> to vector<1x16xf32>
      tpu.vector_store %arg8[%swap3A_83, %swap3A_84], %swap3A_87 {strides = array<i32>} : memref<128x128xf32, #tpu.memory_space<vmem>>, vector<1x16xf32>,
      %broadcast_in_dim3A_88 = arith.constant 0.000000e+00 : f32
      %broadcast_in_dim3A_89 = vector.broadcast %broadcast_in_dim3A_88 : f32 to vector<16xf32>
      %swap3A_90 = arith.index_cast %scan3A_75 : i32 to index
      %swap3A_91 = arith.constant 32 : index
      %swap3A_92 = tpu.vector_load %arg8[%swap3A_90, %swap3A_91] {strides = array<i32>} : memref<128x128xf32, #tpu.memory_space<vmem>>, vector<1x16xf32>,
      %swap3A_93 = vector.shape_cast %swap3A_92 : vector<1x16xf32> to vector<16xf32>
      %swap3A_94 = vector.shape_cast %broadcast_in_dim3A_89 : vector<16xf32> to vector<1x16xf32>
      tpu.vector_store %arg8[%swap3A_90, %swap3A_91], %swap3A_94 {strides = array<i32>} : memref<128x128xf32, #tpu.memory_space<vmem>>, vector<1x16xf32>,
      %broadcast_in_dim3A_95 = arith.constant 0.000000e+00 : f32
      %broadcast_in_dim3A_96 = vector.broadcast %broadcast_in_dim3A_95 : f32 to vector<16xf32>
      %swap3A_97 = arith.index_cast %scan3A_75 : i32 to index
      %swap3A_98 = arith.constant 48 : index
      %swap3A_99 = tpu.vector_load %arg8[%swap3A_97, %swap3A_98] {strides = array<i32>} : memref<128x128xf32, #tpu.memory_space<vmem>>, vector<1x16xf32>,
      %swap3A_100 = vector.shape_cast %swap3A_99 : vector<1x16xf32> to vector<16xf32>
      %swap3A_101 = vector.shape_cast %broadcast_in_dim3A_96 : vector<16xf32> to vector<1x16xf32>
      tpu.vector_store %arg8[%swap3A_97, %swap3A_98], %swap3A_101 {strides = array<i32>} : memref<128x128xf32, #tpu.memory_space<vmem>>, vector<1x16xf32>,
      %broadcast_in_dim3A_102 = arith.constant 0.000000e+00 : f32
      %broadcast_in_dim3A_103 = vector.broadcast %broadcast_in_dim3A_102 : f32 to vector<16xf32>
      %swap3A_104 = arith.index_cast %scan3A_75 : i32 to index
      %swap3A_105 = arith.constant 64 : index
      %swap3A_106 = tpu.vector_load %arg8[%swap3A_104, %swap3A_105] {strides = array<i32>} : memref<128x128xf32, #tpu.memory_space<vmem>>, vector<1x16xf32>,
      %swap3A_107 = vector.shape_cast %swap3A_106 : vector<1x16xf32> to vector<16xf32>
      %swap3A_108 = vector.shape_cast %broadcast_in_dim3A_103 : vector<16xf32> to vector<1x16xf32>
      tpu.vector_store %arg8[%swap3A_104, %swap3A_105], %swap3A_108 {strides = array<i32>} : memref<128x128xf32, #tpu.memory_space<vmem>>, vector<1x16xf32>,
      %broadcast_in_dim3A_109 = arith.constant 0.000000e+00 : f32
      %broadcast_in_dim3A_110 = vector.broadcast %broadcast_in_dim3A_109 : f32 to vector<16xf32>
      %swap3A_111 = arith.index_cast %scan3A_75 : i32 to index
      %swap3A_112 = arith.constant 80 : index
      %swap3A_113 = tpu.vector_load %arg8[%swap3A_111, %swap3A_112] {strides = array<i32>} : memref<128x128xf32, #tpu.memory_space<vmem>>, vector<1x16xf32>,
      %swap3A_114 = vector.shape_cast %swap3A_113 : vector<1x16xf32> to vector<16xf32>
      %swap3A_115 = vector.shape_cast %broadcast_in_dim3A_110 : vector<16xf32> to vector<1x16xf32>
      tpu.vector_store %arg8[%swap3A_111, %swap3A_112], %swap3A_115 {strides = array<i32>} : memref<128x128xf32, #tpu.memory_space<vmem>>, vector<1x16xf32>,
      %broadcast_in_dim3A_116 = arith.constant 0.000000e+00 : f32
      %broadcast_in_dim3A_117 = vector.broadcast %broadcast_in_dim3A_116 : f32 to vector<16xf32>
      %swap3A_118 = arith.index_cast %scan3A_75 : i32 to index
      %swap3A_119 = arith.constant 96 : index
      %swap3A_120 = tpu.vector_load %arg8[%swap3A_118, %swap3A_119] {strides = array<i32>} : memref<128x128xf32, #tpu.memory_space<vmem>>, vector<1x16xf32>,
      %swap3A_121 = vector.shape_cast %swap3A_120 : vector<1x16xf32> to vector<16xf32>
      %swap3A_122 = vector.shape_cast %broadcast_in_dim3A_117 : vector<16xf32> to vector<1x16xf32>
      tpu.vector_store %arg8[%swap3A_118, %swap3A_119], %swap3A_122 {strides = array<i32>} : memref<128x128xf32, #tpu.memory_space<vmem>>, vector<1x16xf32>,
      %broadcast_in_dim3A_123 = arith.constant 0.000000e+00 : f32
      %broadcast_in_dim3A_124 = vector.broadcast %broadcast_in_dim3A_123 : f32 to vector<16xf32>
      %swap3A_125 = arith.index_cast %scan3A_75 : i32 to index
      %swap3A_126 = arith.constant 112 : index
      %swap3A_127 = tpu.vector_load %arg8[%swap3A_125, %swap3A_126] {strides = array<i32>} : memref<128x128xf32, #tpu.memory_space<vmem>>, vector<1x16xf32>,
      %swap3A_128 = vector.shape_cast %swap3A_127 : vector<1x16xf32> to vector<16xf32>
      %swap3A_129 = vector.shape_cast %broadcast_in_dim3A_124 : vector<16xf32> to vector<1x16xf32>
      tpu.vector_store %arg8[%swap3A_125, %swap3A_126], %swap3A_129 {strides = array<i32>} : memref<128x128xf32, #tpu.memory_space<vmem>>, vector<1x16xf32>,
    }
    %scan3A_4 = arith.constant 128 : i32
    %mul3A = arith.constant 640 : i32
    %mul3A_5 = arith.muli %arg1, %mul3A : i32
    %add3A = arith.constant 0 : i32
    %add3A_6 = arith.addi %mul3A_5, %add3A : i32
    "tpu.region"() ({
      %run_scoped3A = tpu.sem_alloc : memref<!tpu.dma_semaphore, #tpu.memory_space<semaphore_mem>>
      %dma_start3A = arith.constant 0 : i32
      %dma_start3A_75 = tpu.memref_slice %arg9[%add3A_6, %dma_start3A] : memref<10240x128xf32, #tpu.memory_space<vmem_shared>> -> memref<128x128xf32, #tpu.memory_space<vmem_shared>>
      %dma_start3A_76 = arith.constant 0 : i32
      %dma_start3A_77 = tpu.memref_slice %arg9[%add3A_6, %dma_start3A_76] : memref<10240x128xf32, #tpu.memory_space<vmem_shared>> -> memref<128x128xf32, #tpu.memory_space<vmem_shared>>
      tpu.enqueue_dma source(%arg8 : memref<128x128xf32, #tpu.memory_space<vmem>>) target(%dma_start3A_77 : memref<128x128xf32, #tpu.memory_space<vmem_shared>>) target_semaphore(%run_scoped3A : memref<!tpu.dma_semaphore, #tpu.memory_space<semaphore_mem>>)
      %dma_wait3A = arith.constant 0 : i32
      %dma_wait3A_78 = tpu.memref_slice %arg9[%add3A_6, %dma_wait3A] : memref<10240x128xf32, #tpu.memory_space<vmem_shared>> -> memref<128x128xf32, #tpu.memory_space<vmem_shared>>
      %dma_wait3A_79 = arith.constant 0 : i32
      %dma_wait3A_80 = tpu.memref_slice %arg9[%add3A_6, %dma_wait3A_79] : memref<10240x128xf32, #tpu.memory_space<vmem_shared>> -> memref<128x128xf32, #tpu.memory_space<vmem_shared>>
      tpu.wait_dma2 semaphore(%run_scoped3A : memref<!tpu.dma_semaphore, #tpu.memory_space<semaphore_mem>>) src(%arg8 : memref<128x128xf32, #tpu.memory_space<vmem>>) dst(%dma_wait3A_80 : memref<128x128xf32, #tpu.memory_space<vmem_shared>>)
      tpu.yield
    }) : () -> ()
    %mul3A_7 = arith.constant 640 : i32
    %mul3A_8 = arith.muli %arg1, %mul3A_7 : i32
    %add3A_9 = arith.constant 128 : i32
    %add3A_10 = arith.addi %mul3A_8, %add3A_9 : i32
    "tpu.region"() ({
      %run_scoped3A = tpu.sem_alloc : memref<!tpu.dma_semaphore, #tpu.memory_space<semaphore_mem>>
      %dma_start3A = arith.constant 0 : i32
      %dma_start3A_75 = tpu.memref_slice %arg9[%add3A_10, %dma_start3A] : memref<10240x128xf32, #tpu.memory_space<vmem_shared>> -> memref<128x128xf32, #tpu.memory_space<vmem_shared>>
      %dma_start3A_76 = arith.constant 0 : i32
      %dma_start3A_77 = tpu.memref_slice %arg9[%add3A_10, %dma_start3A_76] : memref<10240x128xf32, #tpu.memory_space<vmem_shared>> -> memref<128x128xf32, #tpu.memory_space<vmem_shared>>
      tpu.enqueue_dma source(%arg8 : memref<128x128xf32, #tpu.memory_space<vmem>>) target(%dma_start3A_77 : memref<128x128xf32, #tpu.memory_space<vmem_shared>>) target_semaphore(%run_scoped3A : memref<!tpu.dma_semaphore, #tpu.memory_space<semaphore_mem>>)
      %dma_wait3A = arith.constant 0 : i32
      %dma_wait3A_78 = tpu.memref_slice %arg9[%add3A_10, %dma_wait3A] : memref<10240x128xf32, #tpu.memory_space<vmem_shared>> -> memref<128x128xf32, #tpu.memory_space<vmem_shared>>
      %dma_wait3A_79 = arith.constant 0 : i32
      %dma_wait3A_80 = tpu.memref_slice %arg9[%add3A_10, %dma_wait3A_79] : memref<10240x128xf32, #tpu.memory_space<vmem_shared>> -> memref<128x128xf32, #tpu.memory_space<vmem_shared>>
      tpu.wait_dma2 semaphore(%run_scoped3A : memref<!tpu.dma_semaphore, #tpu.memory_space<semaphore_mem>>) src(%arg8 : memref<128x128xf32, #tpu.memory_space<vmem>>) dst(%dma_wait3A_80 : memref<128x128xf32, #tpu.memory_space<vmem_shared>>)
      tpu.yield
    }) : () -> ()
    %mul3A_11 = arith.constant 640 : i32
    %mul3A_12 = arith.muli %arg1, %mul3A_11 : i32
    %add3A_13 = arith.constant 256 : i32
    %add3A_14 = arith.addi %mul3A_12, %add3A_13 : i32
    "tpu.region"() ({
      %run_scoped3A = tpu.sem_alloc : memref<!tpu.dma_semaphore, #tpu.memory_space<semaphore_mem>>
      %dma_start3A = arith.constant 0 : i32
      %dma_start3A_75 = tpu.memref_slice %arg9[%add3A_14, %dma_start3A] : memref<10240x128xf32, #tpu.memory_space<vmem_shared>> -> memref<128x128xf32, #tpu.memory_space<vmem_shared>>
      %dma_start3A_76 = arith.constant 0 : i32
      %dma_start3A_77 = tpu.memref_slice %arg9[%add3A_14, %dma_start3A_76] : memref<10240x128xf32, #tpu.memory_space<vmem_shared>> -> memref<128x128xf32, #tpu.memory_space<vmem_shared>>
      tpu.enqueue_dma source(%arg8 : memref<128x128xf32, #tpu.memory_space<vmem>>) target(%dma_start3A_77 : memref<128x128xf32, #tpu.memory_space<vmem_shared>>) target_semaphore(%run_scoped3A : memref<!tpu.dma_semaphore, #tpu.memory_space<semaphore_mem>>)
      %dma_wait3A = arith.constant 0 : i32
      %dma_wait3A_78 = tpu.memref_slice %arg9[%add3A_14, %dma_wait3A] : memref<10240x128xf32, #tpu.memory_space<vmem_shared>> -> memref<128x128xf32, #tpu.memory_space<vmem_shared>>
      %dma_wait3A_79 = arith.constant 0 : i32
      %dma_wait3A_80 = tpu.memref_slice %arg9[%add3A_14, %dma_wait3A_79] : memref<10240x128xf32, #tpu.memory_space<vmem_shared>> -> memref<128x128xf32, #tpu.memory_space<vmem_shared>>
      tpu.wait_dma2 semaphore(%run_scoped3A : memref<!tpu.dma_semaphore, #tpu.memory_space<semaphore_mem>>) src(%arg8 : memref<128x128xf32, #tpu.memory_space<vmem>>) dst(%dma_wait3A_80 : memref<128x128xf32, #tpu.memory_space<vmem_shared>>)
      tpu.yield
    }) : () -> ()
    %mul3A_15 = arith.constant 640 : i32
    %mul3A_16 = arith.muli %arg1, %mul3A_15 : i32
    %add3A_17 = arith.constant 384 : i32
    %add3A_18 = arith.addi %mul3A_16, %add3A_17 : i32
    "tpu.region"() ({
      %run_scoped3A = tpu.sem_alloc : memref<!tpu.dma_semaphore, #tpu.memory_space<semaphore_mem>>
      %dma_start3A = arith.constant 0 : i32
      %dma_start3A_75 = tpu.memref_slice %arg9[%add3A_18, %dma_start3A] : memref<10240x128xf32, #tpu.memory_space<vmem_shared>> -> memref<128x128xf32, #tpu.memory_space<vmem_shared>>
      %dma_start3A_76 = arith.constant 0 : i32
      %dma_start3A_77 = tpu.memref_slice %arg9[%add3A_18, %dma_start3A_76] : memref<10240x128xf32, #tpu.memory_space<vmem_shared>> -> memref<128x128xf32, #tpu.memory_space<vmem_shared>>
      tpu.enqueue_dma source(%arg8 : memref<128x128xf32, #tpu.memory_space<vmem>>) target(%dma_start3A_77 : memref<128x128xf32, #tpu.memory_space<vmem_shared>>) target_semaphore(%run_scoped3A : memref<!tpu.dma_semaphore, #tpu.memory_space<semaphore_mem>>)
      %dma_wait3A = arith.constant 0 : i32
      %dma_wait3A_78 = tpu.memref_slice %arg9[%add3A_18, %dma_wait3A] : memref<10240x128xf32, #tpu.memory_space<vmem_shared>> -> memref<128x128xf32, #tpu.memory_space<vmem_shared>>
      %dma_wait3A_79 = arith.constant 0 : i32
      %dma_wait3A_80 = tpu.memref_slice %arg9[%add3A_18, %dma_wait3A_79] : memref<10240x128xf32, #tpu.memory_space<vmem_shared>> -> memref<128x128xf32, #tpu.memory_space<vmem_shared>>
      tpu.wait_dma2 semaphore(%run_scoped3A : memref<!tpu.dma_semaphore, #tpu.memory_space<semaphore_mem>>) src(%arg8 : memref<128x128xf32, #tpu.memory_space<vmem>>) dst(%dma_wait3A_80 : memref<128x128xf32, #tpu.memory_space<vmem_shared>>)
      tpu.yield
    }) : () -> ()
    %mul3A_19 = arith.constant 640 : i32
    %mul3A_20 = arith.muli %arg1, %mul3A_19 : i32
    %add3A_21 = arith.constant 512 : i32
    %add3A_22 = arith.addi %mul3A_20, %add3A_21 : i32
    "tpu.region"() ({
      %run_scoped3A = tpu.sem_alloc : memref<!tpu.dma_semaphore, #tpu.memory_space<semaphore_mem>>
      %dma_start3A = arith.constant 0 : i32
      %dma_start3A_75 = tpu.memref_slice %arg9[%add3A_22, %dma_start3A] : memref<10240x128xf32, #tpu.memory_space<vmem_shared>> -> memref<128x128xf32, #tpu.memory_space<vmem_shared>>
      %dma_start3A_76 = arith.constant 0 : i32
      %dma_start3A_77 = tpu.memref_slice %arg9[%add3A_22, %dma_start3A_76] : memref<10240x128xf32, #tpu.memory_space<vmem_shared>> -> memref<128x128xf32, #tpu.memory_space<vmem_shared>>
      tpu.enqueue_dma source(%arg8 : memref<128x128xf32, #tpu.memory_space<vmem>>) target(%dma_start3A_77 : memref<128x128xf32, #tpu.memory_space<vmem_shared>>) target_semaphore(%run_scoped3A : memref<!tpu.dma_semaphore, #tpu.memory_space<semaphore_mem>>)
      %dma_wait3A = arith.constant 0 : i32
      %dma_wait3A_78 = tpu.memref_slice %arg9[%add3A_22, %dma_wait3A] : memref<10240x128xf32, #tpu.memory_space<vmem_shared>> -> memref<128x128xf32, #tpu.memory_space<vmem_shared>>
      %dma_wait3A_79 = arith.constant 0 : i32
      %dma_wait3A_80 = tpu.memref_slice %arg9[%add3A_22, %dma_wait3A_79] : memref<10240x128xf32, #tpu.memory_space<vmem_shared>> -> memref<128x128xf32, #tpu.memory_space<vmem_shared>>
      tpu.wait_dma2 semaphore(%run_scoped3A : memref<!tpu.dma_semaphore, #tpu.memory_space<semaphore_mem>>) src(%arg8 : memref<128x128xf32, #tpu.memory_space<vmem>>) dst(%dma_wait3A_80 : memref<128x128xf32, #tpu.memory_space<vmem_shared>>)
      tpu.yield
    }) : () -> ()
    %barrier3A = arith.constant 0 : index
    tpu.barrier barrier_id(%barrier3A)
    %mul3A_23 = arith.constant 16 : i32
    %mul3A_24 = arith.muli %arg0, %mul3A_23 : i32
    %add3A_25 = arith.addi %mul3A_24, %arg1 : i32
    %mul3A_26 = arith.constant 10112 : i32
    %mul3A_27 = arith.muli %add3A_25, %mul3A_26 : i32
    %scan3A_28 = arith.constant 0 : i32
    %scan3A_29 = arith.constant 0 : i32
    %scan3A_30 = arith.constant 79 : i32
    %scan3A_31 = arith.addi %scan3A_29, %scan3A_30 : i32
    %scan3A_32 = arith.constant 1 : i32
    scf.for %scan3A_75 = %scan3A_29 to %scan3A_31 step %scan3A_32  : i32 {
      %mul3A_76 = arith.constant 128 : i32
      %mul3A_77 = arith.muli %scan3A_75, %mul3A_76 : i32
      %add3A_78 = arith.addi %mul3A_27, %mul3A_77 : i32
      "tpu.region"() ({
        %run_scoped3A = tpu.sem_alloc : memref<!tpu.dma_semaphore, #tpu.memory_space<semaphore_mem>>
        %dma_start3A_83 = tpu.memref_slice %arg2[%add3A_78] : memref<323584xi32, #tpu.memory_space<hbm>> -> memref<128xi32, #tpu.memory_space<hbm>>
        %dma_start3A_84 = tpu.memref_slice %arg2[%add3A_78] : memref<323584xi32, #tpu.memory_space<hbm>> -> memref<128xi32, #tpu.memory_space<hbm>>
        tpu.enqueue_dma source(%dma_start3A_84 : memref<128xi32, #tpu.memory_space<hbm>>) target(%arg6 : memref<128xi32, #tpu.memory_space<vmem>>) target_semaphore(%run_scoped3A : memref<!tpu.dma_semaphore, #tpu.memory_space<semaphore_mem>>)
        %dma_wait3A_85 = tpu.memref_slice %arg2[%add3A_78] : memref<323584xi32, #tpu.memory_space<hbm>> -> memref<128xi32, #tpu.memory_space<hbm>>
        %dma_wait3A_86 = tpu.memref_slice %arg2[%add3A_78] : memref<323584xi32, #tpu.memory_space<hbm>> -> memref<128xi32, #tpu.memory_space<hbm>>
        tpu.wait_dma2 semaphore(%run_scoped3A : memref<!tpu.dma_semaphore, #tpu.memory_space<semaphore_mem>>) src(%dma_wait3A_86 : memref<128xi32, #tpu.memory_space<hbm>>) dst(%arg6 : memref<128xi32, #tpu.memory_space<vmem>>)
        tpu.yield
      }) : () -> ()
      "tpu.region"() ({
        %run_scoped3A = tpu.sem_alloc : memref<!tpu.dma_semaphore, #tpu.memory_space<semaphore_mem>>
        %dma_start3A_83 = tpu.memref_slice %arg3[%add3A_78] : memref<323584xi32, #tpu.memory_space<hbm>> -> memref<128xi32, #tpu.memory_space<hbm>>
        %dma_start3A_84 = tpu.memref_slice %arg3[%add3A_78] : memref<323584xi32, #tpu.memory_space<hbm>> -> memref<128xi32, #tpu.memory_space<hbm>>
        tpu.enqueue_dma source(%dma_start3A_84 : memref<128xi32, #tpu.memory_space<hbm>>) target(%arg7 : memref<128xi32, #tpu.memory_space<vmem>>) target_semaphore(%run_scoped3A : memref<!tpu.dma_semaphore, #tpu.memory_space<semaphore_mem>>)
        %dma_wait3A_85 = tpu.memref_slice %arg3[%add3A_78] : memref<323584xi32, #tpu.memory_space<hbm>> -> memref<128xi32, #tpu.memory_space<hbm>>
        %dma_wait3A_86 = tpu.memref_slice %arg3[%add3A_78] : memref<323584xi32, #tpu.memory_space<hbm>> -> memref<128xi32, #tpu.memory_space<hbm>>
        tpu.wait_dma2 semaphore(%run_scoped3A : memref<!tpu.dma_semaphore, #tpu.memory_space<semaphore_mem>>) src(%dma_wait3A_86 : memref<128xi32, #tpu.memory_space<hbm>>) dst(%arg7 : memref<128xi32, #tpu.memory_space<vmem>>)
        tpu.yield
      }) : () -> ()
      %dma_start3A = arith.constant 0 : i32
      %dma_start3A_79 = arith.constant 0 : i32
      %dma_start3A_80 = tpu.memref_slice %arg4[%dma_start3A, %dma_start3A_79] : memref<10000x128xf32, #tpu.memory_space<hbm>> -> memref<10000x128xf32, #tpu.memory_space<hbm>>
      tpu.enqueue_indirect_dma source(%dma_start3A_80 : memref<10000x128xf32, #tpu.memory_space<hbm>>) target(%arg8 : memref<128x128xf32, #tpu.memory_space<vmem>>) offsets(%arg6 : memref<128xi32, #tpu.memory_space<vmem>>) semaphore(%arg10 : memref<!tpu.dma_semaphore, #tpu.memory_space<semaphore_mem>>)
      %dma_wait3A = arith.constant 0 : i32
      %dma_wait3A_81 = arith.constant 0 : i32
      %dma_wait3A_82 = tpu.memref_slice %arg4[%dma_wait3A, %dma_wait3A_81] : memref<10000x128xf32, #tpu.memory_space<hbm>> -> memref<10000x128xf32, #tpu.memory_space<hbm>>
      tpu.wait_indirect_dma semaphore(%arg10 : memref<!tpu.dma_semaphore, #tpu.memory_space<semaphore_mem>>) src(%dma_wait3A_82 : memref<10000x128xf32, #tpu.memory_space<hbm>>) dst(%arg8 : memref<128x128xf32, #tpu.memory_space<vmem>>)
      "tpu.region"() ({
        %run_scoped3A = tpu.sem_alloc : memref<!tpu.dma_semaphore, #tpu.memory_space<semaphore_mem>>
        %dma_start3A_83 = arith.constant 0 : i32
        %dma_start3A_84 = arith.constant 0 : i32
        %dma_start3A_85 = tpu.memref_slice %arg9[%dma_start3A_83, %dma_start3A_84] : memref<10240x128xf32, #tpu.memory_space<vmem_shared>> -> memref<10240x128xf32, #tpu.memory_space<vmem_shared>>
        tpu.enqueue_indirect_dma source(%arg8 : memref<128x128xf32, #tpu.memory_space<vmem>>) target(%dma_start3A_85 : memref<10240x128xf32, #tpu.memory_space<vmem_shared>>) offsets(%arg7 : memref<128xi32, #tpu.memory_space<vmem>>) semaphore(%run_scoped3A : memref<!tpu.dma_semaphore, #tpu.memory_space<semaphore_mem>>) {add = true}
        %dma_wait3A_86 = arith.constant 0 : i32
        %dma_wait3A_87 = arith.constant 0 : i32
        %dma_wait3A_88 = tpu.memref_slice %arg9[%dma_wait3A_86, %dma_wait3A_87] : memref<10240x128xf32, #tpu.memory_space<vmem_shared>> -> memref<10240x128xf32, #tpu.memory_space<vmem_shared>>
        tpu.wait_indirect_dma semaphore(%run_scoped3A : memref<!tpu.dma_semaphore, #tpu.memory_space<semaphore_mem>>) src(%arg8 : memref<128x128xf32, #tpu.memory_space<vmem>>) dst(%dma_wait3A_88 : memref<10240x128xf32, #tpu.memory_space<vmem_shared>>)
        tpu.yield
      }) : () -> ()
    }
    %scan3A_33 = arith.constant 79 : i32
    %barrier3A_34 = arith.constant 0 : index
    tpu.barrier barrier_id(%barrier3A_34)
    %mul3A_35 = arith.constant 640 : i32
    %mul3A_36 = arith.muli %arg1, %mul3A_35 : i32
    %add3A_37 = arith.constant 0 : i32
    %add3A_38 = arith.addi %mul3A_36, %add3A_37 : i32
    %mul3A_39 = arith.constant 640 : i32
    %mul3A_40 = arith.muli %arg1, %mul3A_39 : i32
    %add3A_41 = arith.constant 0 : i32
    %add3A_42 = arith.addi %mul3A_40, %add3A_41 : i32
    "tpu.region"() ({
      %run_scoped3A = tpu.sem_alloc : memref<!tpu.dma_semaphore, #tpu.memory_space<semaphore_mem>>
      %dma_start3A = arith.constant 0 : i32
      %dma_start3A_75 = tpu.memref_slice %arg5[%arg0, %add3A_42, %dma_start3A] : memref<2x10240x128xf32, #tpu.memory_space<hbm>> -> memref<1x128x128xf32, #tpu.memory_space<hbm>>
      %dma_start3A_76 = tpu.memref_squeeze %dma_start3A_75 : memref<1x128x128xf32, #tpu.memory_space<hbm>> -> memref<128x128xf32, #tpu.memory_space<hbm>>
      %dma_start3A_77 = arith.constant 0 : i32
      %dma_start3A_78 = tpu.memref_slice %arg9[%add3A_38, %dma_start3A_77] : memref<10240x128xf32, #tpu.memory_space<vmem_shared>> -> memref<128x128xf32, #tpu.memory_space<vmem_shared>>
      tpu.enqueue_dma source(%dma_start3A_78 : memref<128x128xf32, #tpu.memory_space<vmem_shared>>) target(%dma_start3A_76 : memref<128x128xf32, #tpu.memory_space<hbm>>) target_semaphore(%run_scoped3A : memref<!tpu.dma_semaphore, #tpu.memory_space<semaphore_mem>>)
      %dma_wait3A = arith.constant 0 : i32
      %dma_wait3A_79 = tpu.memref_slice %arg5[%arg0, %add3A_42, %dma_wait3A] : memref<2x10240x128xf32, #tpu.memory_space<hbm>> -> memref<1x128x128xf32, #tpu.memory_space<hbm>>
      %dma_wait3A_80 = tpu.memref_squeeze %dma_wait3A_79 : memref<1x128x128xf32, #tpu.memory_space<hbm>> -> memref<128x128xf32, #tpu.memory_space<hbm>>
      %dma_wait3A_81 = arith.constant 0 : i32
      %dma_wait3A_82 = tpu.memref_slice %arg9[%add3A_38, %dma_wait3A_81] : memref<10240x128xf32, #tpu.memory_space<vmem_shared>> -> memref<128x128xf32, #tpu.memory_space<vmem_shared>>
      tpu.wait_dma2 semaphore(%run_scoped3A : memref<!tpu.dma_semaphore, #tpu.memory_space<semaphore_mem>>) src(%dma_wait3A_82 : memref<128x128xf32, #tpu.memory_space<vmem_shared>>) dst(%dma_wait3A_80 : memref<128x128xf32, #tpu.memory_space<hbm>>)
      tpu.yield
    }) : () -> ()
    %mul3A_43 = arith.constant 640 : i32
    %mul3A_44 = arith.muli %arg1, %mul3A_43 : i32
    %add3A_45 = arith.constant 128 : i32
    %add3A_46 = arith.addi %mul3A_44, %add3A_45 : i32
    %mul3A_47 = arith.constant 640 : i32
    %mul3A_48 = arith.muli %arg1, %mul3A_47 : i32
    %add3A_49 = arith.constant 128 : i32
    %add3A_50 = arith.addi %mul3A_48, %add3A_49 : i32
    "tpu.region"() ({
      %run_scoped3A = tpu.sem_alloc : memref<!tpu.dma_semaphore, #tpu.memory_space<semaphore_mem>>
      %dma_start3A = arith.constant 0 : i32
      %dma_start3A_75 = tpu.memref_slice %arg5[%arg0, %add3A_50, %dma_start3A] : memref<2x10240x128xf32, #tpu.memory_space<hbm>> -> memref<1x128x128xf32, #tpu.memory_space<hbm>>
      %dma_start3A_76 = tpu.memref_squeeze %dma_start3A_75 : memref<1x128x128xf32, #tpu.memory_space<hbm>> -> memref<128x128xf32, #tpu.memory_space<hbm>>
      %dma_start3A_77 = arith.constant 0 : i32
      %dma_start3A_78 = tpu.memref_slice %arg9[%add3A_46, %dma_start3A_77] : memref<10240x128xf32, #tpu.memory_space<vmem_shared>> -> memref<128x128xf32, #tpu.memory_space<vmem_shared>>
      tpu.enqueue_dma source(%dma_start3A_78 : memref<128x128xf32, #tpu.memory_space<vmem_shared>>) target(%dma_start3A_76 : memref<128x128xf32, #tpu.memory_space<hbm>>) target_semaphore(%run_scoped3A : memref<!tpu.dma_semaphore, #tpu.memory_space<semaphore_mem>>)
      %dma_wait3A = arith.constant 0 : i32
      %dma_wait3A_79 = tpu.memref_slice %arg5[%arg0, %add3A_50, %dma_wait3A] : memref<2x10240x128xf32, #tpu.memory_space<hbm>> -> memref<1x128x128xf32, #tpu.memory_space<hbm>>
      %dma_wait3A_80 = tpu.memref_squeeze %dma_wait3A_79 : memref<1x128x128xf32, #tpu.memory_space<hbm>> -> memref<128x128xf32, #tpu.memory_space<hbm>>
      %dma_wait3A_81 = arith.constant 0 : i32
      %dma_wait3A_82 = tpu.memref_slice %arg9[%add3A_46, %dma_wait3A_81] : memref<10240x128xf32, #tpu.memory_space<vmem_shared>> -> memref<128x128xf32, #tpu.memory_space<vmem_shared>>
      tpu.wait_dma2 semaphore(%run_scoped3A : memref<!tpu.dma_semaphore, #tpu.memory_space<semaphore_mem>>) src(%dma_wait3A_82 : memref<128x128xf32, #tpu.memory_space<vmem_shared>>) dst(%dma_wait3A_80 : memref<128x128xf32, #tpu.memory_space<hbm>>)
      tpu.yield
    }) : () -> ()
    %mul3A_51 = arith.constant 640 : i32
    %mul3A_52 = arith.muli %arg1, %mul3A_51 : i32
    %add3A_53 = arith.constant 256 : i32
    %add3A_54 = arith.addi %mul3A_52, %add3A_53 : i32
    %mul3A_55 = arith.constant 640 : i32
    %mul3A_56 = arith.muli %arg1, %mul3A_55 : i32
    %add3A_57 = arith.constant 256 : i32
    %add3A_58 = arith.addi %mul3A_56, %add3A_57 : i32
    "tpu.region"() ({
      %run_scoped3A = tpu.sem_alloc : memref<!tpu.dma_semaphore, #tpu.memory_space<semaphore_mem>>
      %dma_start3A = arith.constant 0 : i32
      %dma_start3A_75 = tpu.memref_slice %arg5[%arg0, %add3A_58, %dma_start3A] : memref<2x10240x128xf32, #tpu.memory_space<hbm>> -> memref<1x128x128xf32, #tpu.memory_space<hbm>>
      %dma_start3A_76 = tpu.memref_squeeze %dma_start3A_75 : memref<1x128x128xf32, #tpu.memory_space<hbm>> -> memref<128x128xf32, #tpu.memory_space<hbm>>
      %dma_start3A_77 = arith.constant 0 : i32
      %dma_start3A_78 = tpu.memref_slice %arg9[%add3A_54, %dma_start3A_77] : memref<10240x128xf32, #tpu.memory_space<vmem_shared>> -> memref<128x128xf32, #tpu.memory_space<vmem_shared>>
      tpu.enqueue_dma source(%dma_start3A_78 : memref<128x128xf32, #tpu.memory_space<vmem_shared>>) target(%dma_start3A_76 : memref<128x128xf32, #tpu.memory_space<hbm>>) target_semaphore(%run_scoped3A : memref<!tpu.dma_semaphore, #tpu.memory_space<semaphore_mem>>)
      %dma_wait3A = arith.constant 0 : i32
      %dma_wait3A_79 = tpu.memref_slice %arg5[%arg0, %add3A_58, %dma_wait3A] : memref<2x10240x128xf32, #tpu.memory_space<hbm>> -> memref<1x128x128xf32, #tpu.memory_space<hbm>>
      %dma_wait3A_80 = tpu.memref_squeeze %dma_wait3A_79 : memref<1x128x128xf32, #tpu.memory_space<hbm>> -> memref<128x128xf32, #tpu.memory_space<hbm>>
      %dma_wait3A_81 = arith.constant 0 : i32
      %dma_wait3A_82 = tpu.memref_slice %arg9[%add3A_54, %dma_wait3A_81] : memref<10240x128xf32, #tpu.memory_space<vmem_shared>> -> memref<128x128xf32, #tpu.memory_space<vmem_shared>>
      tpu.wait_dma2 semaphore(%run_scoped3A : memref<!tpu.dma_semaphore, #tpu.memory_space<semaphore_mem>>) src(%dma_wait3A_82 : memref<128x128xf32, #tpu.memory_space<vmem_shared>>) dst(%dma_wait3A_80 : memref<128x128xf32, #tpu.memory_space<hbm>>)
      tpu.yield
    }) : () -> ()
    %mul3A_59 = arith.constant 640 : i32
    %mul3A_60 = arith.muli %arg1, %mul3A_59 : i32
    %add3A_61 = arith.constant 384 : i32
    %add3A_62 = arith.addi %mul3A_60, %add3A_61 : i32
    %mul3A_63 = arith.constant 640 : i32
    %mul3A_64 = arith.muli %arg1, %mul3A_63 : i32
    %add3A_65 = arith.constant 384 : i32
    %add3A_66 = arith.addi %mul3A_64, %add3A_65 : i32
    "tpu.region"() ({
      %run_scoped3A = tpu.sem_alloc : memref<!tpu.dma_semaphore, #tpu.memory_space<semaphore_mem>>
      %dma_start3A = arith.constant 0 : i32
      %dma_start3A_75 = tpu.memref_slice %arg5[%arg0, %add3A_66, %dma_start3A] : memref<2x10240x128xf32, #tpu.memory_space<hbm>> -> memref<1x128x128xf32, #tpu.memory_space<hbm>>
      %dma_start3A_76 = tpu.memref_squeeze %dma_start3A_75 : memref<1x128x128xf32, #tpu.memory_space<hbm>> -> memref<128x128xf32, #tpu.memory_space<hbm>>
      %dma_start3A_77 = arith.constant 0 : i32
      %dma_start3A_78 = tpu.memref_slice %arg9[%add3A_62, %dma_start3A_77] : memref<10240x128xf32, #tpu.memory_space<vmem_shared>> -> memref<128x128xf32, #tpu.memory_space<vmem_shared>>
      tpu.enqueue_dma source(%dma_start3A_78 : memref<128x128xf32, #tpu.memory_space<vmem_shared>>) target(%dma_start3A_76 : memref<128x128xf32, #tpu.memory_space<hbm>>) target_semaphore(%run_scoped3A : memref<!tpu.dma_semaphore, #tpu.memory_space<semaphore_mem>>)
      %dma_wait3A = arith.constant 0 : i32
      %dma_wait3A_79 = tpu.memref_slice %arg5[%arg0, %add3A_66, %dma_wait3A] : memref<2x10240x128xf32, #tpu.memory_space<hbm>> -> memref<1x128x128xf32, #tpu.memory_space<hbm>>
      %dma_wait3A_80 = tpu.memref_squeeze %dma_wait3A_79 : memref<1x128x128xf32, #tpu.memory_space<hbm>> -> memref<128x128xf32, #tpu.memory_space<hbm>>
      %dma_wait3A_81 = arith.constant 0 : i32
      %dma_wait3A_82 = tpu.memref_slice %arg9[%add3A_62, %dma_wait3A_81] : memref<10240x128xf32, #tpu.memory_space<vmem_shared>> -> memref<128x128xf32, #tpu.memory_space<vmem_shared>>
      tpu.wait_dma2 semaphore(%run_scoped3A : memref<!tpu.dma_semaphore, #tpu.memory_space<semaphore_mem>>) src(%dma_wait3A_82 : memref<128x128xf32, #tpu.memory_space<vmem_shared>>) dst(%dma_wait3A_80 : memref<128x128xf32, #tpu.memory_space<hbm>>)
      tpu.yield
    }) : () -> ()
    %mul3A_67 = arith.constant 640 : i32
    %mul3A_68 = arith.muli %arg1, %mul3A_67 : i32
    %add3A_69 = arith.constant 512 : i32
    %add3A_70 = arith.addi %mul3A_68, %add3A_69 : i32
    %mul3A_71 = arith.constant 640 : i32
    %mul3A_72 = arith.muli %arg1, %mul3A_71 : i32
    %add3A_73 = arith.constant 512 : i32
    %add3A_74 = arith.addi %mul3A_72, %add3A_73 : i32
    "tpu.region"() ({
      %run_scoped3A = tpu.sem_alloc : memref<!tpu.dma_semaphore, #tpu.memory_space<semaphore_mem>>
      %dma_start3A = arith.constant 0 : i32
      %dma_start3A_75 = tpu.memref_slice %arg5[%arg0, %add3A_74, %dma_start3A] : memref<2x10240x128xf32, #tpu.memory_space<hbm>> -> memref<1x128x128xf32, #tpu.memory_space<hbm>>
      %dma_start3A_76 = tpu.memref_squeeze %dma_start3A_75 : memref<1x128x128xf32, #tpu.memory_space<hbm>> -> memref<128x128xf32, #tpu.memory_space<hbm>>
      %dma_start3A_77 = arith.constant 0 : i32
      %dma_start3A_78 = tpu.memref_slice %arg9[%add3A_70, %dma_start3A_77] : memref<10240x128xf32, #tpu.memory_space<vmem_shared>> -> memref<128x128xf32, #tpu.memory_space<vmem_shared>>
      tpu.enqueue_dma source(%dma_start3A_78 : memref<128x128xf32, #tpu.memory_space<vmem_shared>>) target(%dma_start3A_76 : memref<128x128xf32, #tpu.memory_space<hbm>>) target_semaphore(%run_scoped3A : memref<!tpu.dma_semaphore, #tpu.memory_space<semaphore_mem>>)
      %dma_wait3A = arith.constant 0 : i32
      %dma_wait3A_79 = tpu.memref_slice %arg5[%arg0, %add3A_74, %dma_wait3A] : memref<2x10240x128xf32, #tpu.memory_space<hbm>> -> memref<1x128x128xf32, #tpu.memory_space<hbm>>
      %dma_wait3A_80 = tpu.memref_squeeze %dma_wait3A_79 : memref<1x128x128xf32, #tpu.memory_space<hbm>> -> memref<128x128xf32, #tpu.memory_space<hbm>>
      %dma_wait3A_81 = arith.constant 0 : i32
      %dma_wait3A_82 = tpu.memref_slice %arg9[%add3A_70, %dma_wait3A_81] : memref<10240x128xf32, #tpu.memory_space<vmem_shared>> -> memref<128x128xf32, #tpu.memory_space<vmem_shared>>
      tpu.wait_dma2 semaphore(%run_scoped3A : memref<!tpu.dma_semaphore, #tpu.memory_space<semaphore_mem>>) src(%dma_wait3A_82 : memref<128x128xf32, #tpu.memory_space<vmem_shared>>) dst(%dma_wait3A_80 : memref<128x128xf32, #tpu.memory_space<hbm>>)
      tpu.yield
    }) : () -> ()
    return
  }
}

module attributes {stable_mosaic.version = 14 : i64} {
  func.func @_prep_body(%arg0: i32, %arg1: memref<1000x128xf32, #tpu.memory_space<vmem>>, %arg2: memref<128x128xf32, #tpu.memory_space<vmem>>, %arg3: memref<1000x1xf32, #tpu.memory_space<vmem>>, %arg4: memref<1000x1xf32, #tpu.memory_space<vmem>>, %arg5: memref<1000x128xf32, #tpu.memory_space<vmem>>, %arg6: memref<1000x1xf32, #tpu.memory_space<vmem>>) attributes {dimension_semantics = [#tpu.dimension_semantics<arbitrary>], iteration_bounds = array<i64: 10>, scalar_prefetch = 0 : i64, scratch_operands = 0 : i64, tpu.core_type = #tpu.core_type<tc>, window_params = [{transform_indices = @transform_0, window_bounds = array<i64: 1000, 128>}, {pipeline_mode = #tpu.pipeline_mode<synchronous>, transform_indices = @transform_1, window_bounds = array<i64: 128, 128>}, {transform_indices = @transform_2, window_bounds = array<i64: 1000, 1>}, {transform_indices = @transform_3, window_bounds = array<i64: 1000, 1>}, {transform_indices = @transform_4, window_bounds = array<i64: 1000, 128>}, {transform_indices = @transform_5, window_bounds = array<i64: 1000, 1>}]} {
    %get3A = arith.constant 0 : index
    %get3A_0 = arith.constant 0 : index
    %get3A_1 = vector.load %arg3[%get3A, %get3A_0] : memref<1000x1xf32, #tpu.memory_space<vmem>>, vector<1000x1xf32>
    %get3A_2 = arith.constant 0 : index
    %get3A_3 = arith.constant 0 : index
    %get3A_4 = vector.load %arg4[%get3A_2, %get3A_3] : memref<1000x1xf32, #tpu.memory_space<vmem>>, vector<1000x1xf32>
    %add3A = arith.addf %get3A_1, %get3A_4 : vector<1000x1xf32>
    %add3A_5 = arith.constant 1.000000e+00 : f32
    %add3A_6 = vector.broadcast %add3A_5 : f32 to vector<1000x1xf32>
    %add3A_7 = arith.addf %add3A, %add3A_6 : vector<1000x1xf32>
    %rsqrt3A = math.rsqrt %add3A_7 : vector<1000x1xf32>
    %get3A_8 = arith.constant 0 : index
    %get3A_9 = arith.constant 0 : index
    %get3A_10 = vector.load %arg1[%get3A_8, %get3A_9] : memref<1000x128xf32, #tpu.memory_space<vmem>>, vector<1000x128xf32>
    %get3A_11 = arith.constant 0 : index
    %get3A_12 = arith.constant 0 : index
    %get3A_13 = vector.load %arg2[%get3A_11, %get3A_12] : memref<128x128xf32, #tpu.memory_space<vmem>>, vector<128x128xf32>
    %dot_general3A = arith.constant dense<0.000000e+00> : vector<1000x128xf32>
    %dot_general3A_14 = tpu.matmul %get3A_10, %get3A_13, %dot_general3A {dimension_numbers = #tpu.dot_dimension_numbers<[1], [0], [0], [1], [0, 0, 1, 1], [], []>, transpose_lhs_hint = false} : vector<1000x128xf32>, vector<128x128xf32>, vector<1000x128xf32> -> vector<1000x128xf32>
    %mul3A = vector.broadcast %rsqrt3A : vector<1000x1xf32> to vector<1000x128xf32>
    %mul3A_15 = arith.mulf %dot_general3A_14, %mul3A : vector<1000x128xf32>
    %swap3A = arith.constant 0 : index
    %swap3A_16 = arith.constant 0 : index
    %swap3A_17 = vector.load %arg5[%swap3A, %swap3A_16] : memref<1000x128xf32, #tpu.memory_space<vmem>>, vector<1000x128xf32>
    tpu.vector_store %arg5[%swap3A, %swap3A_16], %mul3A_15 {strides = array<i32>} : memref<1000x128xf32, #tpu.memory_space<vmem>>, vector<1000x128xf32>,
    %swap3A_18 = arith.constant 0 : index
    %swap3A_19 = arith.constant 0 : index
    %swap3A_20 = vector.load %arg6[%swap3A_18, %swap3A_19] : memref<1000x1xf32, #tpu.memory_space<vmem>>, vector<1000x1xf32>
    tpu.vector_store %arg6[%swap3A_18, %swap3A_19], %rsqrt3A {strides = array<i32>} : memref<1000x1xf32, #tpu.memory_space<vmem>>, vector<1000x1xf32>,
    return
  }
  func.func @transform_0(%arg0: i32) -> (i32, i32) {
    %c0_i32 = arith.constant 0 : i32
    %c0_i32_0 = arith.constant 0 : i32
    return %arg0, %c0_i32 : i32, i32
  }
  func.func @transform_1(%arg0: i32) -> (i32, i32) {
    %c0_i32 = arith.constant 0 : i32
    %c0_i32_0 = arith.constant 0 : i32
    %c0_i32_1 = arith.constant 0 : i32
    return %c0_i32, %c0_i32_0 : i32, i32
  }
  func.func @transform_2(%arg0: i32) -> (i32, i32) {
    %c0_i32 = arith.constant 0 : i32
    %c0_i32_0 = arith.constant 0 : i32
    return %arg0, %c0_i32 : i32, i32
  }
  func.func @transform_3(%arg0: i32) -> (i32, i32) {
    %c0_i32 = arith.constant 0 : i32
    %c0_i32_0 = arith.constant 0 : i32
    return %arg0, %c0_i32 : i32, i32
  }
  func.func @transform_4(%arg0: i32) -> (i32, i32) {
    %c0_i32 = arith.constant 0 : i32
    %c0_i32_0 = arith.constant 0 : i32
    return %arg0, %c0_i32 : i32, i32
  }
  func.func @transform_5(%arg0: i32) -> (i32, i32) {
    %c0_i32 = arith.constant 0 : i32
    %c0_i32_0 = arith.constant 0 : i32
    return %arg0, %c0_i32 : i32, i32
  }
}

module attributes {stable_mosaic.version = 14 : i64} {
  func.func @_mid_body(%arg0: i32, %arg1: memref<1x1000x128xf32, #tpu.memory_space<vmem>>, %arg2: memref<1x1000x128xf32, #tpu.memory_space<vmem>>, %arg3: memref<1000x128xf32, #tpu.memory_space<vmem>>, %arg4: memref<1000x1xf32, #tpu.memory_space<vmem>>, %arg5: memref<1x128xf32, #tpu.memory_space<vmem>>, %arg6: memref<128x128xf32, #tpu.memory_space<vmem>>, %arg7: memref<1000x128xf32, #tpu.memory_space<vmem>>) attributes {dimension_semantics = [#tpu.dimension_semantics<arbitrary>], iteration_bounds = array<i64: 10>, scalar_prefetch = 0 : i64, scratch_operands = 0 : i64, tpu.core_type = #tpu.core_type<tc>, window_params = [{transform_indices = @transform_0, window_bounds = array<i64: 1, 1000, 128>}, {transform_indices = @transform_1, window_bounds = array<i64: 1, 1000, 128>}, {transform_indices = @transform_2, window_bounds = array<i64: 1000, 128>}, {transform_indices = @transform_3, window_bounds = array<i64: 1000, 1>}, {pipeline_mode = #tpu.pipeline_mode<synchronous>, transform_indices = @transform_4, window_bounds = array<i64: 1, 128>}, {pipeline_mode = #tpu.pipeline_mode<synchronous>, transform_indices = @transform_5, window_bounds = array<i64: 128, 128>}, {transform_indices = @transform_6, window_bounds = array<i64: 1000, 128>}]} {
    %get3A = arith.constant 0 : index
    %get3A_0 = arith.constant 0 : index
    %get3A_1 = arith.constant 0 : index
    %get3A_2 = vector.load %arg1[%get3A, %get3A_0, %get3A_1] : memref<1x1000x128xf32, #tpu.memory_space<vmem>>, vector<1x1000x128xf32>
    %get3A_3 = vector.shape_cast %get3A_2 : vector<1x1000x128xf32> to vector<1000x128xf32>
    %get3A_4 = arith.constant 0 : index
    %get3A_5 = arith.constant 0 : index
    %get3A_6 = arith.constant 0 : index
    %get3A_7 = vector.load %arg2[%get3A_4, %get3A_5, %get3A_6] : memref<1x1000x128xf32, #tpu.memory_space<vmem>>, vector<1x1000x128xf32>
    %get3A_8 = vector.shape_cast %get3A_7 : vector<1x1000x128xf32> to vector<1000x128xf32>
    %add3A = arith.addf %get3A_3, %get3A_8 : vector<1000x128xf32>
    %get3A_9 = arith.constant 0 : index
    %get3A_10 = arith.constant 0 : index
    %get3A_11 = vector.load %arg4[%get3A_9, %get3A_10] : memref<1000x1xf32, #tpu.memory_space<vmem>>, vector<1000x1xf32>
    %get3A_12 = arith.constant 0 : index
    %get3A_13 = arith.constant 0 : index
    %get3A_14 = vector.load %arg3[%get3A_12, %get3A_13] : memref<1000x128xf32, #tpu.memory_space<vmem>>, vector<1000x128xf32>
    %add3A_15 = arith.addf %add3A, %get3A_14 : vector<1000x128xf32>
    %mul3A = vector.broadcast %get3A_11 : vector<1000x1xf32> to vector<1000x128xf32>
    %mul3A_16 = arith.mulf %mul3A, %add3A_15 : vector<1000x128xf32>
    %get3A_17 = arith.constant 0 : index
    %get3A_18 = arith.constant 0 : index
    %get3A_19 = vector.load %arg5[%get3A_17, %get3A_18] : memref<1x128xf32, #tpu.memory_space<vmem>>, vector<1x128xf32>
    %add3A_20 = vector.broadcast %get3A_19 : vector<1x128xf32> to vector<1000x128xf32>
    %add3A_21 = arith.addf %mul3A_16, %add3A_20 : vector<1000x128xf32>
    %max3A = arith.constant 0.000000e+00 : f32
    %max3A_22 = vector.broadcast %max3A : f32 to vector<1000x128xf32>
    %max3A_23 = arith.maximumf %add3A_21, %max3A_22 : vector<1000x128xf32>
    %get3A_24 = arith.constant 0 : index
    %get3A_25 = arith.constant 0 : index
    %get3A_26 = vector.load %arg6[%get3A_24, %get3A_25] : memref<128x128xf32, #tpu.memory_space<vmem>>, vector<128x128xf32>
    %dot_general3A = arith.constant dense<0.000000e+00> : vector<1000x128xf32>
    %dot_general3A_27 = tpu.matmul %max3A_23, %get3A_26, %dot_general3A {dimension_numbers = #tpu.dot_dimension_numbers<[1], [0], [0], [1], [0, 0, 1, 1], [], []>, transpose_lhs_hint = false} : vector<1000x128xf32>, vector<128x128xf32>, vector<1000x128xf32> -> vector<1000x128xf32>
    %mul3A_28 = vector.broadcast %get3A_11 : vector<1000x1xf32> to vector<1000x128xf32>
    %mul3A_29 = arith.mulf %dot_general3A_27, %mul3A_28 : vector<1000x128xf32>
    %swap3A = arith.constant 0 : index
    %swap3A_30 = arith.constant 0 : index
    %swap3A_31 = vector.load %arg7[%swap3A, %swap3A_30] : memref<1000x128xf32, #tpu.memory_space<vmem>>, vector<1000x128xf32>
    tpu.vector_store %arg7[%swap3A, %swap3A_30], %mul3A_29 {strides = array<i32>} : memref<1000x128xf32, #tpu.memory_space<vmem>>, vector<1000x128xf32>,
    return
  }
  func.func @transform_0(%arg0: i32) -> (i32, i32, i32) {
    %c0_i32 = arith.constant 0 : i32
    %c0_i32_0 = arith.constant 0 : i32
    %c0_i32_1 = arith.constant 0 : i32
    return %c0_i32, %arg0, %c0_i32_0 : i32, i32, i32
  }
  func.func @transform_1(%arg0: i32) -> (i32, i32, i32) {
    %c1_i32 = arith.constant 1 : i32
    %c0_i32 = arith.constant 0 : i32
    %c0_i32_0 = arith.constant 0 : i32
    return %c1_i32, %arg0, %c0_i32 : i32, i32, i32
  }
  func.func @transform_2(%arg0: i32) -> (i32, i32) {
    %c0_i32 = arith.constant 0 : i32
    %c0_i32_0 = arith.constant 0 : i32
    return %arg0, %c0_i32 : i32, i32
  }
  func.func @transform_3(%arg0: i32) -> (i32, i32) {
    %c0_i32 = arith.constant 0 : i32
    %c0_i32_0 = arith.constant 0 : i32
    return %arg0, %c0_i32 : i32, i32
  }
  func.func @transform_4(%arg0: i32) -> (i32, i32) {
    %c0_i32 = arith.constant 0 : i32
    %c0_i32_0 = arith.constant 0 : i32
    %c0_i32_1 = arith.constant 0 : i32
    return %c0_i32, %c0_i32_0 : i32, i32
  }
  func.func @transform_5(%arg0: i32) -> (i32, i32) {
    %c0_i32 = arith.constant 0 : i32
    %c0_i32_0 = arith.constant 0 : i32
    %c0_i32_1 = arith.constant 0 : i32
    return %c0_i32, %c0_i32_0 : i32, i32
  }
  func.func @transform_6(%arg0: i32) -> (i32, i32) {
    %c0_i32 = arith.constant 0 : i32
    %c0_i32_0 = arith.constant 0 : i32
    return %arg0, %c0_i32 : i32, i32
  }
}

module attributes {stable_mosaic.version = 14 : i64} {
  func.func @_final_body(%arg0: i32, %arg1: memref<1x1000x128xf32, #tpu.memory_space<vmem>>, %arg2: memref<1x1000x128xf32, #tpu.memory_space<vmem>>, %arg3: memref<1000x128xf32, #tpu.memory_space<vmem>>, %arg4: memref<1000x1xf32, #tpu.memory_space<vmem>>, %arg5: memref<1x128xf32, #tpu.memory_space<vmem>>, %arg6: memref<1000x1xi32, #tpu.memory_space<vmem>>, %arg7: memref<64x128xf32, #tpu.memory_space<vmem>>, %arg8: memref<64x128xf32, #tpu.memory_space<vmem>>, %arg9: memref<64x128xf32, #tpu.memory_space<vmem>>) attributes {dimension_semantics = [#tpu.dimension_semantics<arbitrary>], iteration_bounds = array<i64: 10>, scalar_prefetch = 0 : i64, scratch_operands = 2 : i64, tpu.core_type = #tpu.core_type<tc>, window_params = [{transform_indices = @transform_0, window_bounds = array<i64: 1, 1000, 128>}, {transform_indices = @transform_1, window_bounds = array<i64: 1, 1000, 128>}, {transform_indices = @transform_2, window_bounds = array<i64: 1000, 128>}, {transform_indices = @transform_3, window_bounds = array<i64: 1000, 1>}, {pipeline_mode = #tpu.pipeline_mode<synchronous>, transform_indices = @transform_4, window_bounds = array<i64: 1, 128>}, {transform_indices = @transform_5, window_bounds = array<i64: 1000, 1>}, {pipeline_mode = #tpu.pipeline_mode<synchronous>, transform_indices = @transform_6, window_bounds = array<i64: 64, 128>}]} {
    %get3A = arith.constant 0 : index
    %get3A_0 = arith.constant 0 : index
    %get3A_1 = arith.constant 0 : index
    %get3A_2 = vector.load %arg1[%get3A, %get3A_0, %get3A_1] : memref<1x1000x128xf32, #tpu.memory_space<vmem>>, vector<1x1000x128xf32>
    %get3A_3 = vector.shape_cast %get3A_2 : vector<1x1000x128xf32> to vector<1000x128xf32>
    %get3A_4 = arith.constant 0 : index
    %get3A_5 = arith.constant 0 : index
    %get3A_6 = arith.constant 0 : index
    %get3A_7 = vector.load %arg2[%get3A_4, %get3A_5, %get3A_6] : memref<1x1000x128xf32, #tpu.memory_space<vmem>>, vector<1x1000x128xf32>
    %get3A_8 = vector.shape_cast %get3A_7 : vector<1x1000x128xf32> to vector<1000x128xf32>
    %add3A = arith.addf %get3A_3, %get3A_8 : vector<1000x128xf32>
    %get3A_9 = arith.constant 0 : index
    %get3A_10 = arith.constant 0 : index
    %get3A_11 = vector.load %arg4[%get3A_9, %get3A_10] : memref<1000x1xf32, #tpu.memory_space<vmem>>, vector<1000x1xf32>
    %get3A_12 = arith.constant 0 : index
    %get3A_13 = arith.constant 0 : index
    %get3A_14 = vector.load %arg3[%get3A_12, %get3A_13] : memref<1000x128xf32, #tpu.memory_space<vmem>>, vector<1000x128xf32>
    %add3A_15 = arith.addf %add3A, %get3A_14 : vector<1000x128xf32>
    %mul3A = vector.broadcast %get3A_11 : vector<1000x1xf32> to vector<1000x128xf32>
    %mul3A_16 = arith.mulf %mul3A, %add3A_15 : vector<1000x128xf32>
    %get3A_17 = arith.constant 0 : index
    %get3A_18 = arith.constant 0 : index
    %get3A_19 = vector.load %arg5[%get3A_17, %get3A_18] : memref<1x128xf32, #tpu.memory_space<vmem>>, vector<1x128xf32>
    %add3A_20 = vector.broadcast %get3A_19 : vector<1x128xf32> to vector<1000x128xf32>
    %add3A_21 = arith.addf %mul3A_16, %add3A_20 : vector<1000x128xf32>
    %max3A = arith.constant 0.000000e+00 : f32
    %max3A_22 = vector.broadcast %max3A : f32 to vector<1000x128xf32>
    %max3A_23 = arith.maximumf %add3A_21, %max3A_22 : vector<1000x128xf32>
    %iota3A = tpu.iota {dimensions = array<i32: 1>} : vector<1000x64xi32>
    %get3A_24 = arith.constant 0 : index
    %get3A_25 = arith.constant 0 : index
    %get3A_26 = vector.load %arg6[%get3A_24, %get3A_25] : memref<1000x1xi32, #tpu.memory_space<vmem>>, vector<1000x1xi32>
    %eq3A = vector.broadcast %get3A_26 : vector<1000x1xi32> to vector<1000x64xi32>
    %eq3A_27 = arith.cmpi eq, %eq3A, %iota3A : vector<1000x64xi32>
    %convert_element_type3A = arith.extui %eq3A_27 : vector<1000x64xi1> to vector<1000x64xi32>
    %convert_element_type3A_28 = arith.sitofp %convert_element_type3A : vector<1000x64xi32> to vector<1000x64xf32>
    %eq3A_29 = arith.constant 0 : i32
    %eq3A_30 = arith.cmpi eq, %arg0, %eq3A_29 : i32
    %convert_element_type3A_31 = arith.extui %eq3A_30 : i1 to i32
    %cond3A = arith.constant 0 : i32
    %cond3A_32 = arith.cmpi ne, %convert_element_type3A_31, %cond3A : i32
    scf.if %cond3A_32 {
      %broadcast_in_dim3A_55 = arith.constant 0.000000e+00 : f32
      %broadcast_in_dim3A_56 = vector.broadcast %broadcast_in_dim3A_55 : f32 to vector<64x128xf32>
      %swap3A_57 = arith.constant 0 : index
      %swap3A_58 = arith.constant 0 : index
      %swap3A_59 = vector.load %arg8[%swap3A_57, %swap3A_58] : memref<64x128xf32, #tpu.memory_space<vmem>>, vector<64x128xf32>
      tpu.vector_store %arg8[%swap3A_57, %swap3A_58], %broadcast_in_dim3A_56 {strides = array<i32>} : memref<64x128xf32, #tpu.memory_space<vmem>>, vector<64x128xf32>,
      %broadcast_in_dim3A_60 = arith.constant 0.000000e+00 : f32
      %broadcast_in_dim3A_61 = vector.broadcast %broadcast_in_dim3A_60 : f32 to vector<64x128xf32>
      %swap3A_62 = arith.constant 0 : index
      %swap3A_63 = arith.constant 0 : index
      %swap3A_64 = vector.load %arg9[%swap3A_62, %swap3A_63] : memref<64x128xf32, #tpu.memory_space<vmem>>, vector<64x128xf32>
      tpu.vector_store %arg9[%swap3A_62, %swap3A_63], %broadcast_in_dim3A_61 {strides = array<i32>} : memref<64x128xf32, #tpu.memory_space<vmem>>, vector<64x128xf32>,
    } else {
    }
    %get3A_33 = arith.constant 0 : index
    %get3A_34 = arith.constant 0 : index
    %get3A_35 = vector.load %arg8[%get3A_33, %get3A_34] : memref<64x128xf32, #tpu.memory_space<vmem>>, vector<64x128xf32>
    %dot_general3A = arith.constant dense<0.000000e+00> : vector<64x128xf32>
    %dot_general3A_36 = tpu.matmul %convert_element_type3A_28, %max3A_23, %dot_general3A {dimension_numbers = #tpu.dot_dimension_numbers<[0], [0], [1], [1], [0, 1, 1, 1], [], []>, transpose_lhs_hint = false} : vector<1000x64xf32>, vector<1000x128xf32>, vector<64x128xf32> -> vector<64x128xf32>
    %add3A_37 = arith.addf %get3A_35, %dot_general3A_36 : vector<64x128xf32>
    %swap3A = arith.constant 0 : index
    %swap3A_38 = arith.constant 0 : index
    %swap3A_39 = vector.load %arg8[%swap3A, %swap3A_38] : memref<64x128xf32, #tpu.memory_space<vmem>>, vector<64x128xf32>
    tpu.vector_store %arg8[%swap3A, %swap3A_38], %add3A_37 {strides = array<i32>} : memref<64x128xf32, #tpu.memory_space<vmem>>, vector<64x128xf32>,
    %get3A_40 = arith.constant 0 : index
    %get3A_41 = arith.constant 0 : index
    %get3A_42 = vector.load %arg9[%get3A_40, %get3A_41] : memref<64x128xf32, #tpu.memory_space<vmem>>, vector<64x128xf32>
    %broadcast_in_dim3A = arith.constant 1.000000e+00 : f32
    %broadcast_in_dim3A_43 = vector.broadcast %broadcast_in_dim3A : f32 to vector<1000x128xf32>
    %dot_general3A_44 = arith.constant dense<0.000000e+00> : vector<64x128xf32>
    %dot_general3A_45 = tpu.matmul %convert_element_type3A_28, %broadcast_in_dim3A_43, %dot_general3A_44 {dimension_numbers = #tpu.dot_dimension_numbers<[0], [0], [1], [1], [0, 1, 1, 1], [], []>, transpose_lhs_hint = false} : vector<1000x64xf32>, vector<1000x128xf32>, vector<64x128xf32> -> vector<64x128xf32>
    %add3A_46 = arith.addf %get3A_42, %dot_general3A_45 : vector<64x128xf32>
    %swap3A_47 = arith.constant 0 : index
    %swap3A_48 = arith.constant 0 : index
    %swap3A_49 = vector.load %arg9[%swap3A_47, %swap3A_48] : memref<64x128xf32, #tpu.memory_space<vmem>>, vector<64x128xf32>
    tpu.vector_store %arg9[%swap3A_47, %swap3A_48], %add3A_46 {strides = array<i32>} : memref<64x128xf32, #tpu.memory_space<vmem>>, vector<64x128xf32>,
    %eq3A_50 = arith.constant 9 : i32
    %eq3A_51 = arith.cmpi eq, %arg0, %eq3A_50 : i32
    %convert_element_type3A_52 = arith.extui %eq3A_51 : i1 to i32
    %cond3A_53 = arith.constant 0 : i32
    %cond3A_54 = arith.cmpi ne, %convert_element_type3A_52, %cond3A_53 : i32
    scf.if %cond3A_54 {
      %get3A_55 = arith.constant 0 : index
      %get3A_56 = arith.constant 0 : index
      %get3A_57 = vector.load %arg8[%get3A_55, %get3A_56] : memref<64x128xf32, #tpu.memory_space<vmem>>, vector<64x128xf32>
      %get3A_58 = arith.constant 0 : index
      %get3A_59 = arith.constant 0 : index
      %get3A_60 = vector.load %arg9[%get3A_58, %get3A_59] : memref<64x128xf32, #tpu.memory_space<vmem>>, vector<64x128xf32>
      %max3A_61 = arith.constant 1.000000e+00 : f32
      %max3A_62 = vector.broadcast %max3A_61 : f32 to vector<64x128xf32>
      %max3A_63 = arith.maximumf %get3A_60, %max3A_62 : vector<64x128xf32>
      %div3A = arith.divf %get3A_57, %max3A_63 : vector<64x128xf32>
      %swap3A_64 = arith.constant 0 : index
      %swap3A_65 = arith.constant 0 : index
      %swap3A_66 = vector.load %arg7[%swap3A_64, %swap3A_65] : memref<64x128xf32, #tpu.memory_space<vmem>>, vector<64x128xf32>
      tpu.vector_store %arg7[%swap3A_64, %swap3A_65], %div3A {strides = array<i32>} : memref<64x128xf32, #tpu.memory_space<vmem>>, vector<64x128xf32>,
    } else {
    }
    return
  }
  func.func @transform_0(%arg0: i32) -> (i32, i32, i32) {
    %c0_i32 = arith.constant 0 : i32
    %c0_i32_0 = arith.constant 0 : i32
    %c0_i32_1 = arith.constant 0 : i32
    return %c0_i32, %arg0, %c0_i32_0 : i32, i32, i32
  }
  func.func @transform_1(%arg0: i32) -> (i32, i32, i32) {
    %c1_i32 = arith.constant 1 : i32
    %c0_i32 = arith.constant 0 : i32
    %c0_i32_0 = arith.constant 0 : i32
    return %c1_i32, %arg0, %c0_i32 : i32, i32, i32
  }
  func.func @transform_2(%arg0: i32) -> (i32, i32) {
    %c0_i32 = arith.constant 0 : i32
    %c0_i32_0 = arith.constant 0 : i32
    return %arg0, %c0_i32 : i32, i32
  }
  func.func @transform_3(%arg0: i32) -> (i32, i32) {
    %c0_i32 = arith.constant 0 : i32
    %c0_i32_0 = arith.constant 0 : i32
    return %arg0, %c0_i32 : i32, i32
  }
  func.func @transform_4(%arg0: i32) -> (i32, i32) {
    %c0_i32 = arith.constant 0 : i32
    %c0_i32_0 = arith.constant 0 : i32
    %c0_i32_1 = arith.constant 0 : i32
    return %c0_i32, %c0_i32_0 : i32, i32
  }
  func.func @transform_5(%arg0: i32) -> (i32, i32) {
    %c0_i32 = arith.constant 0 : i32
    %c0_i32_0 = arith.constant 0 : i32
    return %arg0, %c0_i32 : i32, i32
  }
  func.func @transform_6(%arg0: i32) -> (i32, i32) {
    %c0_i32 = arith.constant 0 : i32
    %c0_i32_0 = arith.constant 0 : i32
    %c0_i32_1 = arith.constant 0 : i32
    return %c0_i32, %c0_i32_0 : i32, i32
  }
}

</mosaic_0001>

<sc_bundles>
// kernel: kernel.11.cloned.1.call-start
scs
__scs_entry_jumppad:
0x0: {  	(pc) =	sbr.rel $0x88, $3  }
0x1: {  	(tag) =	ssettag $0x0;
	lr =	simm.s32 $0x1  }
0x2: {  	[smem:$0x3F9A] =	sst lr;
	_ =	strace $0xD0000000  }
0x3: {  	_ = 	snop  }
0x4: {  	_ = 	snop  }
0x5: {  	_ = 	snop  }
0x6: {  	_ = 	snop  }
0x7: {  	_ = 	snop  }
__scs_overlays_trampoline_lowered:
0x8: {  	[smem:$0x3FA9] =	sst s0  }
0x9: {  	[smem:$0x3FAA] =	sst s1  }
0xa: {  	[smem:$0x3FAB] =	sst s2  }
0xb: {  	[smem:$0x3FAC] =	sst s3  }
0xc: {  	[smem:$0x3FAD] =	sst s4  }
0xd: {  	[smem:$0x3FAE] =	sst s5  }
0xe: {  	[smem:$0x3FAF] =	sst s6  }
0xf: {  	[smem:$0x3FB0] =	sst s7  }
0x10: {  	[smem:$0x3FB1] =	sst s8  }
0x11: {  	[smem:$0x3FB2] =	sst s9;
	s0 =	simm.s32 @!p0 $0x0  }
0x12: {  	s1 =	sld [smem:$0x3F98];
	s0 =	simm.s32 @p0 $0x1  }
0x13: {  	[smem:$0x3FB3] =	sst s0;
	s0 =	simm.s32 @!p1 $0x0  }
0x14: {  	s2 =	sld [smem:$0x3F97];
	s0 =	simm.s32 @p1 $0x1  }
0x15: {  	[smem:$0x3FB4] =	sst s0;
	s0 =	simm.s32 @!p2 $0x0  }
0x16: {  	s3 =	sld [smem:$0x3FDB];
	s0 =	simm.s32 @p2 $0x1  }
0x17: {  	s4 =	simm.s32 $0x1BF5;
	[smem:$0x3FB6] =	sst s0  }
0x18: {  	s0 =	sld [smem:$0x3F99];
	_ =	swait.ge [sflag:s4], $0x0  }
0x19: {  	s7 =	sld [smem:$0x3F9A]  }
0x1a: {  	s8 =	sadd.s32 $0xFFFFE003, lr  }
0x1b: {  	s9 =	sadd.s32 $0xFFFFFEF7, lr;
	s5 =	simm.s32 $0xFFFFFFFF;
	p2 =	slt.u32 s8, $0xFFFFF086  }
0x1c: {  	p1 =	slt.u32 s9, $0xF7A;
	s5 =	simm.s32 @!p2 $0x0  }
0x1d: {  	s5 =	simm.s32 @p1 $0x1;
	p0 =	seq.s32 s7, s2  }
0x1e: {  	s7 =	smul.u32 @!p0 $0xF7A, s2;
	p2 =	seq.s32 @!p0 s5, $0x0  }
0x1f: {  	s9 =	smul.u32 $0xF7A, s1;
	s8 =	simm.s32 @!p0 $0x1BF5;
	p2 =	por !p2, p0  }
0x20: {  	[sflag:s8] =	ssyncset.s32 @!p0 $0xFFFFF086;
	s6 =	sadd.s32 @!p0 s3, s7;
	s7 =	simm.s32 @!p0 $0x108  }
0x21: {  	s3 =	sadd.s32 s3, s9;
	s6 =	sadd.s32 @!p0 $0x88, s6;
	s7 =	simm.s32 @p2 $0x1082  }
0x22: {  	[simem:s7], [sflag:s8] =	dma.local @!p0 [hbm:s6], $0xF7A  }
0x23: {  	s9 =	sor.u32 $0xD0000000, s2;
	s6 =	simm.s32 $0x108;
	_ =	swait.ge @!p0 [sflag:s8], $0x0  }
0x24: {  	s3 =	sadd.s32 $0x88, s3;
	s6 =	simm.s32 @!p1 $0x1082;
	[sflag:s4] =	ssyncset.s32 $0xFFFFF086  }
0x25: {  	[simem:s6], [sflag:s4] =	dma.local [hbm:s3], $0xF7A  }
0x26: {  	[smem:$0x3F9A] =	sst s1;
	(tag) =	ssettag s2;
	_ =	strace s9  }
0x27: {  	s1 =	sld [smem:$0x3FAA]  }
0x28: {  	s2 =	sld [smem:$0x3FAB]  }
0x29: {  	s4 =	sld [smem:$0x3FAD]  }
0x2a: {  	p0 =	seq.s32 s5, $0x0;
	s5 =	sld [smem:$0x3FAE]  }
0x2b: {  	s6 =	sld [smem:$0x3FAF]  }
0x2c: {  	s7 =	sld [smem:$0x3FB0]  }
0x2d: {  	s3 =	simm.s32 $0x108;
	s8 =	sld [smem:$0x3FB1]  }
0x2e: {  	s3 =	simm.s32 @!p0 $0x1082;
	s9 =	sld [smem:$0x3FB2]  }
0x2f: {  	lr =	sadd.s32 s0, s3;
	s0 =	sld [smem:$0x3FA9]  }
0x30: {  	s3 =	sld [smem:$0x3FAC]  }
0x31: {  	[smem:$0x3FB5] =	sst s10  }
0x32: {  	s10 =	sld [smem:$0x3FB3];
	_ =	sdelay $0x3  }
0x33: {  	p0 =	seq.s32 s10, $0x1;
	s10 =	sld [smem:$0x3FB5];
	_ =	sdelay $0x3  }
0x34: {  	[smem:$0x3FB5] =	sst s10  }
0x35: {  	s10 =	sld [smem:$0x3FB4];
	_ =	sdelay $0x3  }
0x36: {  	p1 =	seq.s32 s10, $0x1;
	s10 =	sld [smem:$0x3FB5];
	_ =	sdelay $0x3  }
0x37: {  	[smem:$0x3FB5] =	sst s10  }
0x38: {  	s10 =	sld [smem:$0x3FB6]  }
0x39: {  	_ = 	snop;
	(pc) =	sbr.ind lr, $3  }
0x3a: {  	_ = 	snop  }
0x3b: {  	_ = 	snop  }
0x3c: {  	p2 =	seq.s32 s10, $0x1;
	s10 =	sld [smem:$0x3FB5]  }
0x3d: {  	_ =	shalt  }
0x3e: {  	_ =	shalt  }
0x3f: {  	_ =	shalt  }
0x40: {  	_ =	shalt  }
0x41: {  	_ =	shalt  }
0x42: {  	_ =	shalt  }
0x43: {  	_ =	shalt  }
0x44: {  	_ =	shalt  }
0x45: {  	_ =	shalt  }
0x46: {  	_ =	shalt  }
0x47: {  	_ =	shalt  }
0x48: {  	_ =	shalt  }
0x49: {  	_ =	shalt  }
0x4a: {  	_ =	shalt  }
0x4b: {  	_ =	shalt  }
0x4c: {  	_ =	shalt  }
0x4d: {  	_ =	shalt  }
0x4e: {  	_ =	shalt  }
0x4f: {  	_ =	shalt  }
0x50: {  	_ =	shalt  }
0x51: {  	_ =	shalt  }
0x52: {  	_ =	shalt  }
0x53: {  	_ =	shalt  }
0x54: {  	_ =	shalt  }
0x55: {  	_ =	shalt  }
0x56: {  	_ =	shalt  }
0x57: {  	_ =	shalt  }
0x58: {  	_ =	shalt  }
0x59: {  	_ =	shalt  }
0x5a: {  	_ =	shalt  }
0x5b: {  	_ =	shalt  }
0x5c: {  	_ =	shalt  }
0x5d: {  	_ =	shalt  }
0x5e: {  	_ =	shalt  }
0x5f: {  	_ =	shalt  }
0x60: {  	_ =	shalt  }
0x61: {  	_ =	shalt  }
0x62: {  	_ =	shalt  }
0x63: {  	_ =	shalt  }
0x64: {  	_ =	shalt  }
0x65: {  	_ =	shalt  }
0x66: {  	_ =	shalt  }
0x67: {  	_ =	shalt  }
0x68: {  	_ =	shalt  }
0x69: {  	_ =	shalt  }
0x6a: {  	_ =	shalt  }
0x6b: {  	_ =	shalt  }
0x6c: {  	_ =	shalt  }
0x6d: {  	_ =	shalt  }
0x6e: {  	_ =	shalt  }
0x6f: {  	_ =	shalt  }
0x70: {  	_ =	shalt  }
0x71: {  	_ =	shalt  }
0x72: {  	_ =	shalt  }
0x73: {  	_ =	shalt  }
0x74: {  	_ =	shalt  }
0x75: {  	_ =	shalt  }
0x76: {  	_ =	shalt  }
0x77: {  	_ =	shalt  }
0x78: {  	_ =	shalt  }
0x79: {  	_ =	shalt  }
0x7a: {  	_ =	shalt  }
0x7b: {  	_ =	shalt  }
0x7c: {  	_ =	shalt  }
0x7d: {  	_ =	shalt  }
0x7e: {  	_ =	shalt  }
0x7f: {  	_ =	shalt  }
0x80: {  	_ =	shalt  }
0x81: {  	_ =	shalt  }
0x82: {  	_ =	shalt  }
0x83: {  	_ =	shalt  }
0x84: {  	_ =	shalt  }
0x85: {  	_ =	shalt  }
0x86: {  	_ =	shalt  }
0x87: {  	_ =	shalt  }
.Lfunc_end0:
.L_simem_size_0:
called_computation.1_lowered:
.L_overlay_start_0:
0x88: {  	s2 =	sld [smem:$0x3FD9]  }
0x89: {  	s3 =	sld [smem:$0x3FFE];
	_ =	sdelay $0x1  }
0x8a: {  	s1 =	srdreg.scid  }
0x8b: {  	s0 =	sand.u32 $0x1, s1  }
0x8c: {  	s16 =	sshll.u32 s0, $0xA;
	s2 =	sadd.s32 s3, s2  }
0x8d: {  	s2 =	sadd.s32 s2, s16  }
0x8e: {  	[smem:$0x3FC1] =	sst s2  }
0x8f: {  	_ = 	snop  }
0x90: {  	(tm) =	ssettm $0x1  }
0x91: {  	s17 =	sld [smem:$0x3FFB];
	_ =	sdelay $0x3  }
0x92: {  	_ =	strace s17  }
0x93: {  	s2 =	sld [smem:$0x3FFC];
	_ =	sdelay $0x3  }
0x94: {  	_ =	strace s2  }
0x95: {  	s2 =	sld [smem:$0x3FFD];
	_ =	sdelay $0x3  }
0x96: {  	_ =	strace s2  }
0x97: {  	_ =	strace $0x8FFFFFFF  }
0x98: {  	s18 =	sld [smem:$0x3FDB];
	_ =	sdelay $0x1  }
0x99: {  	s19 =	simm.s32 $_scs_section_size  }
0x9a: {  	s4 =	simm.s32 $_size__tile_overlayer_lowered;
	s5 =	simm.s32 $_tile_overlayer_lowered  }
0x9b: {  	s22 =	simm.s32 $0x1BFF;
	s21 =	sshll.u32 s5, $0x1;
	s2 =	sadd.s32 s19, s18  }
0x9c: {  	s6 =	simm.s32 $0x0;
	s20 =	sshll.u32 s4, $0x1;
	s4 =	sadd.s32 s21, s2  }
0x9d: {  	[timem:s6], [sflag:s22] =	dma.local [hbm:s4], s20  }
0x9e: {  	_ =	swait.ge [sflag:s22], s20  }
0x9f: {  	s3 =	ssub.s32 $0x0, s20;
	[sflag:s22] =	ssyncset.done $0x0  }
0xa0: {  	[sflag:s22] =	ssyncadd.s32 s3;
	_ =	sdelay $0x1  }
0xa1: {  	s23 =	simm.s32 $0x1B8B  }
0xa2: {  	_ =	swait.ge [sflag:s23], $0x1  }
0xa3: {  	[sflag:s23] =	ssyncset.done $0x0  }
0xa4: {  	s25 =	simm.s32 $0x1B8E;
	s24 =	sld [smem:$0x3FFE];
	[sflag:s23] =	ssyncadd.s32 $0xFFFFFFFF  }
0xa5: {  	s26 =	simm.s32 $execute0_lowered;
	[smem:$0x3FD2] =	sst s25  }
0xa6: {  	s4 =	sshll.u32 s26, $0x1;
	_ =	strace $0x80000049;
	[dreg:$0x1] =	wrdreg $0xFFFFFFFF  }
0xa7: {  	s28 =	simm.s32 $_size_execute0_lowered;
	s2 =	sadd.s32 s2, s4;
	[dreg:$0x0] =	wrdreg $0x0  }
0xa8: {  	s4 =	sshll.u32 s28, $0x1;
	[dreg:$0x2] =	wrdreg s2  }
0xa9: {  	[dreg:$0x3] =	wrdreg s4  }
0xaa: {  	[dreg:$0x4] =	wrdreg $0xC0  }
0xab: {  	_ =	task [dreg:s6], $0x5FFFF  }
0xac: {  	[dreg:$0x1] =	wrdreg $0xFFFFFFFF  }
0xad: {  	[dreg:$0x0] =	wrdreg $0x60  }
0xae: {  	[dreg:$0x2] =	wrdreg s24  }
0xaf: {  	[dreg:$0x3] =	wrdreg $0x41000  }
0xb0: {  	[dreg:$0x4] =	wrdreg $0x9  }
0xb1: {  	_ =	task.clear_ibuf [dreg:s6], $0x5FFFF;
	_ =	strace $0x90000049  }
0xb2: {  	s29 =	simm.s32 $0x9;
	_ =	strace $0x8000004B  }
0xb3: {  	_ =	swait.ge [sflag:s29], $0x1  }
0xb4: {  	[sflag:s29] =	ssyncadd.s32 $0xFFFFFFFF  }
0xb5: {  	_ =	strace $0x9000004B  }
0xb6: {  	_ =	sfence  }
0xb7: {  	s30 =	sld [smem:$0x0];
	_ =	sdelay $0x2  }
0xb8: {  	s31 =	sshll.u32 s1, $0xD;
	s1 =	sshrl.u32 s1, $0x2  }
0xb9: {  	s3 =	sand.u32 $0x4000, s31;
	s1 =	sadd.s32 s1, s30  }
0xba: {  	s0 =	sor.u32 s3, s0;
	s1 =	sshll.u32 s1, $0x11  }
0xbb: {  	s0 =	sor.u32 s1, s0  }
0xbc: {  	s0 =	sadd.s32 $0x8F2B, s0  }
0xbd: {  	[sflag:s0] =	ssyncadd.remote.s32 $0x1  }
0xbe: {  	_ =	sfence.sel $0xFFFF  }
0xbf: {  	[dreg:$0x0] =	wrdreg $0xFFFFFFFF;
	(pc) =	sbr.abs _section_cstart, $3  }
0xc0: {  	[dreg:$0x1] =	wrdreg $0xFFFFFFFF  }
0xc1: {  	_ =	task.clear_ibuf [dreg:s6], $0x2FFFF;
	_ =	strace $0x9FFFFFFF  }
0xc2: {  	(tm) =	ssettm $0x7FFFFFFF  }
0xc3: {  	_ =	shalt  }
tec
execute0_lowered:
.L_overlay_start_1:
0x0: {  	(tag) =	ssettag $0x1  }
0x1: {  	s5 =	rddreg [dreg:$0x0]  }
0x2: {  	s0 =	srdreg.scid;
	s1 =	rddreg [dreg:$0x1]  }
0x3: {  	s3 =	simm.s32 $0x0;
	s2 =	stileid.u32;
	s20 =	simm.s32 $0x80  }
0x4: {  	s21 =	simm.s32 $0x1;
	s22 =	simm.s32 $0x0;
	s7 =	smul.u32 $0x50000, s2  }
0x5: {  	s6 =	sand.u32 $0x1, s0;
	s0 =	rddreg [dreg:$0x2];
	s9 =	smul.u32 $0x14000, s2  }
0x6: {  	[smem:$0x7FF] =	sst s3;
	s15 =	sadd.s32 $0x3E000, s5;
	s30 =	smul.u32 $0x4F0, s2  }
0x7: {  	s4 =	smul.u32 $0x4F00, s6;
	_ =	strace $0x8000004A;
	s8 =	ssub.s32 $0x2, s6  }
0x8: {  	s17 =	smul.u32 $0x140000, s6;
	s29 =	sshrl.u32 s8, $0x1;
	s7 =	sshrl.u32 s7, $0x2  }
0x9: {  	s10 =	sadd.s32 $0x4000, s9;
	s12 =	sadd.s32 $0x8000, s9;
	s13 =	sadd.s32 $0xC000, s9  }
0xa: {  	s18 =	sadd.s32 $0x10000, s9;
	s14 =	sadd.s32 s4, s5;
	s4 =	sadd.s32 $0x16E00, s5  }
0xb: {  	s16 =	ssub.s32 s8, s29;
	s5 =	sadd.s32 s7, s1;
	s6 =	sadd.s32 s10, s1  }
0xc: {  	s7 =	sadd.s32 s12, s1;
	s8 =	sadd.s32 s13, s1;
	s11 =	sadd.s32 s9, s17  }
0xd: {  	s10 =	sadd.s32 s17, s10;
	s9 =	sadd.s32 s18, s1;
	s12 =	sadd.s32 s17, s12  }
0xe: {  	s13 =	sadd.s32 s17, s13;
	s17 =	sadd.s32 s17, s18;
	s18 =	simm.s32 $0x100  }
0xf: {  	s11 =	sshrl.u32 s11, $0x3;
	s19 =	sshrl.u32 s10, $0x3;
	s12 =	sshrl.u32 s12, $0x3  }
0x10: {  	s13 =	sshrl.u32 s13, $0x3;
	s17 =	sshrl.u32 s17, $0x3;
	s31 =	sadd.s32 s30, s14  }
0x11: {  	s10 =	sadd.s32 s15, s11;
	s11 =	sadd.s32 s15, s19;
	s12 =	sadd.s32 s15, s12  }
0x12: {  	s13 =	sadd.s32 s15, s13;
	s14 =	sadd.s32 s15, s17;
	s15 =	smax.u32 s16, $0x1  }
0x13: {  	v0 =	vimm.f32 $0.0e+00;
	s16 =	sadd.s32 $0x2800, s31;
	s17 =	sadd.s32 $0xD000, s31;
	s19 =	simm.s32 $0x2  }
.LBB2_1:
0x14: {  	s23 =	simm.s32 $0x0;
	s24 =	simm.s32 $0x200  }
.LBB2_2:
0x15: {  	p0 =	sne.s32 s24, $0xFE00;
	[tilespmem:s23+$0x170] =	vst v0  }
0x16: {  	[tilespmem:s23+$0x100] =	vst v0  }
0x17: {  	[tilespmem:s23+$0x110] =	vst v0  }
.Ltmp0:
0x18: {  	[tilespmem:s23+$0x120] =	vst v0;
	(pc) =	sbr.rel @p0 .LBB2_2-.Ltmp0, $4  }
0x19: {  	[tilespmem:s23+$0x130] =	vst v0  }
0x1a: {  	[tilespmem:s23+$0x140] =	vst v0  }
0x1b: {  	[tilespmem:s23+$0x150] =	vst v0  }
0x1c: {  	[tilespmem:s23+$0x160] =	vst v0;
	s23 =	sshra.s32 s24, $0x2;
	s24 =	sadd.s32 $0x200, s24  }
0x1d: {  	[tilespmem:s23+$0x170] =	vst v0  }
0x1e: {  	[tilespmem:s23+$0x100] =	vst v0  }
0x1f: {  	[tilespmem:s23+$0x110] =	vst v0  }
0x20: {  	[tilespmem:s23+$0x120] =	vst v0  }
0x21: {  	[tilespmem:s23+$0x130] =	vst v0  }
0x22: {  	[tilespmem:s23+$0x140] =	vst v0  }
0x23: {  	[tilespmem:s23+$0x150] =	vst v0  }
0x24: {  	[tilespmem:s23+$0x160] =	vst v0  }
0x25: {  	[spmem:s5] =	stream.linear.scatter [tilespmem:s18], [sflag:$0x2], $0x4000, $0x38;
	[tilespmem:$0x18100] =	vst v63  }
0x26: {  	_ =	swait.ge [sflag:s19], $0x4000  }
0x27: {  	[sflag:s19] =	ssyncset.done $0x0  }
0x28: {  	[sflag:s19] =	ssyncadd.s32 $0xFFFFC000  }
0x29: {  	[spmem:s6] =	stream.linear.scatter [tilespmem:s18], [sflag:$0x2], $0x4000, $0x38;
	[tilespmem:$0x18100] =	vst v63  }
0x2a: {  	_ =	swait.ge [sflag:s19], $0x4000  }
0x2b: {  	[sflag:s19] =	ssyncset.done $0x0  }
0x2c: {  	[sflag:s19] =	ssyncadd.s32 $0xFFFFC000  }
0x2d: {  	[spmem:s7] =	stream.linear.scatter [tilespmem:s18], [sflag:$0x2], $0x4000, $0x38;
	[tilespmem:$0x18100] =	vst v63  }
0x2e: {  	_ =	swait.ge [sflag:s19], $0x4000  }
0x2f: {  	[sflag:s19] =	ssyncset.done $0x0  }
0x30: {  	[sflag:s19] =	ssyncadd.s32 $0xFFFFC000  }
0x31: {  	[spmem:s8] =	stream.linear.scatter [tilespmem:s18], [sflag:$0x2], $0x4000, $0x38;
	[tilespmem:$0x18100] =	vst v63  }
0x32: {  	_ =	swait.ge [sflag:s19], $0x4000  }
0x33: {  	[sflag:s19] =	ssyncset.done $0x0  }
0x34: {  	[sflag:s19] =	ssyncadd.s32 $0xFFFFC000  }
0x35: {  	[spmem:s9] =	stream.linear.scatter [tilespmem:s18], [sflag:$0x2], $0x4000, $0x38;
	[tilespmem:$0x18100] =	vst v63  }
0x36: {  	_ =	swait.ge [sflag:s19], $0x4000  }
0x37: {  	[sflag:s19] =	ssyncset.done $0x0  }
0x38: {  	[sflag:s19] =	ssyncadd.s32 $0xFFFFC000  }
0x39: {  	s30 =	sadd.s32 $0x0, s17;
	[bflag:$0x0] =	sbarrier.arrive $0xFFFF  }
0x3a: {  	[tilespmem:s3], [sflag:$0x2] =	stream.linear.gather [hbm4b:s30+s3], $0x80, $0x38;
	[tilespmem:$0x18100] =	vst v63  }
0x3b: {  	_ =	swait.ge [sflag:s19], $0x80  }
0x3c: {  	[sflag:s19] =	ssyncset.done $0x0  }
0x3d: {  	s31 =	sadd.s32 $0x0, s16;
	[sflag:s19] =	ssyncadd.s32 $0xFFFFFF80  }
0x3e: {  	[tilespmem:s20], [sflag:$0x2] =	stream.linear.gather [hbm4b:s31+s3], $0x80, $0x38;
	[tilespmem:$0x18100] =	vst v63  }
0x3f: {  	_ =	swait.ge [sflag:s19], $0x80  }
0x40: {  	[sflag:s19] =	ssyncset.done $0x0  }
0x41: {  	[sflag:s19] =	ssyncadd.s32 $0xFFFFFF80  }
0x42: {  	[tilespmem:s18], [sflag:$0x1] =	stream.indirect.gather [hbm4b:s4+s20], $0x80, s3, s20, $0xb8;
	[tilespmem:$0x18100] =	vst v63  }
0x43: {  	_ =	swait.ge [sflag:s21], $0x4000  }
0x44: {  	[sflag:s21] =	ssyncset.done $0x0  }
0x45: {  	[sflag:s21] =	ssyncadd.s32 $0xFFFFC000  }
0x46: {  	[spmem:s1] =	stream.indirect.scatter.add.f32 [tilespmem:s18], [sflag:$0x2], $0x80, s20, s20, $0xb8;
	[tilespmem:$0x18100] =	vst v63  }
0x47: {  	_ =	swait.ge [sflag:s19], $0x4000  }
0x48: {  	s23 =	simm.s32 $0x10;
	s24 =	simm.s32 $0x20;
	[sflag:s19] =	ssyncset.done $0x0  }
.LBB2_4:
0x49: {  	s25 =	sadd.s32 s23, s17  }
0x4a: {  	[sflag:s19] =	ssyncadd.s32 $0xFFFFC000;
	s26 =	smov.u32 s24;
	s28 =	sadd.s32 $0x10, s24  }
0x4b: {  	[tilespmem:s3], [sflag:$0x2] =	stream.linear.gather [hbm4b:s25+s3], $0x80, $0x38;
	[tilespmem:$0x18100] =	vst v63  }
0x4c: {  	p0 =	sne.s32 s24, $0x4E0;
	_ =	swait.ge [sflag:s19], $0x80  }
0x4d: {  	[sflag:s19] =	ssyncset.done $0x0  }
0x4e: {  	s24 =	sadd.s32 s23, s16;
	s23 =	smov.u32 s26;
	[sflag:s19] =	ssyncadd.s32 $0xFFFFFF80  }
0x4f: {  	[tilespmem:s20], [sflag:$0x2] =	stream.linear.gather [hbm4b:s24+s3], $0x80, $0x38;
	[tilespmem:$0x18100] =	vst v63  }
0x50: {  	_ =	swait.ge [sflag:s19], $0x80  }
0x51: {  	[sflag:s19] =	ssyncset.done $0x0  }
0x52: {  	[sflag:s19] =	ssyncadd.s32 $0xFFFFFF80  }
0x53: {  	[tilespmem:s18], [sflag:$0x1] =	stream.indirect.gather [hbm4b:s4+s20], $0x80, s3, s20, $0xb8;
	[tilespmem:$0x18100] =	vst v63  }
0x54: {  	_ =	swait.ge [sflag:s21], $0x4000  }
.Ltmp1:
0x55: {  	[sflag:s21] =	ssyncset.done $0x0;
	(pc) =	sbr.rel @p0 .LBB2_4-.Ltmp1, $4  }
0x56: {  	[sflag:s21] =	ssyncadd.s32 $0xFFFFC000  }
0x57: {  	[spmem:s1] =	stream.indirect.scatter.add.f32 [tilespmem:s18], [sflag:$0x2], $0x80, s20, s20, $0xb8;
	[tilespmem:$0x18100] =	vst v63  }
0x58: {  	_ =	swait.ge [sflag:s19], $0x4000  }
0x59: {  	s24 =	smov.u32 s28;
	[sflag:s19] =	ssyncset.done $0x0  }
0x5a: {  	s24 =	sadd.s32 s23, s17;
	[sflag:s19] =	ssyncadd.s32 $0xFFFFC000  }
0x5b: {  	[tilespmem:s3], [sflag:$0x2] =	stream.linear.gather [hbm4b:s24+s3], $0x80, $0x38;
	[tilespmem:$0x18100] =	vst v63  }
0x5c: {  	_ =	swait.ge [sflag:s19], $0x80  }
0x5d: {  	[sflag:s19] =	ssyncset.done $0x0  }
0x5e: {  	s24 =	sadd.s32 s23, s16;
	[sflag:s19] =	ssyncadd.s32 $0xFFFFFF80  }
0x5f: {  	[tilespmem:s20], [sflag:$0x2] =	stream.linear.gather [hbm4b:s24+s3], $0x80, $0x38;
	[tilespmem:$0x18100] =	vst v63  }
0x60: {  	_ =	swait.ge [sflag:s19], $0x80  }
0x61: {  	[sflag:s19] =	ssyncset.done $0x0  }
0x62: {  	[sflag:s19] =	ssyncadd.s32 $0xFFFFFF80  }
0x63: {  	[tilespmem:s18], [sflag:$0x1] =	stream.indirect.gather [hbm4b:s4+s20], $0x80, s3, s20, $0xb8;
	[tilespmem:$0x18100] =	vst v63  }
0x64: {  	_ =	swait.ge [sflag:s21], $0x4000  }
0x65: {  	[sflag:s21] =	ssyncset.done $0x0  }
0x66: {  	[sflag:s21] =	ssyncadd.s32 $0xFFFFC000  }
0x67: {  	[spmem:s1] =	stream.indirect.scatter.add.f32 [tilespmem:s18], [sflag:$0x2], $0x80, s20, s20, $0xb8;
	[tilespmem:$0x18100] =	vst v63  }
0x68: {  	_ =	swait.ge [sflag:s19], $0x4000  }
0x69: {  	[sflag:s19] =	ssyncset.done $0x0  }
0x6a: {  	s25 =	sshll.u32 s2, $0x6;
	[sflag:s19] =	ssyncadd.s32 $0xFFFFC000  }
0x6b: {  	s26 =	sshrl.u32 s5, $0x3;
	s23 =	sor.u32 $0x1C02, s25;
	[bflag:$0x0] =	sbarrier.arrive $0xFFFF  }
0x6c: {  	[hbm:s10], [sflag:s23] =	dma.local [spmem:s26], $0x800  }
0x6d: {  	_ =	swait.ge [sflag:s19], $0x800  }
0x6e: {  	[sflag:s19] =	ssyncset.done $0x0  }
0x6f: {  	s28 =	sshrl.u32 s6, $0x3;
	[sflag:s19] =	ssyncadd.s32 $0xFFFFF800  }
0x70: {  	[hbm:s11], [sflag:s23] =	dma.local [spmem:s28], $0x800  }
0x71: {  	_ =	swait.ge [sflag:s19], $0x800  }
0x72: {  	[sflag:s19] =	ssyncset.done $0x0  }
0x73: {  	s29 =	sshrl.u32 s7, $0x3;
	[sflag:s19] =	ssyncadd.s32 $0xFFFFF800  }
0x74: {  	[hbm:s12], [sflag:s23] =	dma.local [spmem:s29], $0x800  }
0x75: {  	_ =	swait.ge [sflag:s19], $0x800  }
0x76: {  	[sflag:s19] =	ssyncset.done $0x0  }
0x77: {  	s30 =	sshrl.u32 s8, $0x3;
	[sflag:s19] =	ssyncadd.s32 $0xFFFFF800  }
0x78: {  	[hbm:s13], [sflag:s23] =	dma.local [spmem:s30], $0x800  }
0x79: {  	s22 =	sadd.s32 $0x1, s22;
	_ =	swait.ge [sflag:s19], $0x800  }
0x7a: {  	p0 =	sne.s32 s22, s15;
	[sflag:s19] =	ssyncset.done $0x0  }
.Ltmp2:
0x7b: {  	s31 =	sshrl.u32 s9, $0x3;
	[sflag:s19] =	ssyncadd.s32 $0xFFFFF800;
	(pc) =	sbr.rel @p0 .LBB2_1-.Ltmp2, $4  }
0x7c: {  	[hbm:s14], [sflag:s23] =	dma.local [spmem:s31], $0x800  }
0x7d: {  	_ =	swait.ge [sflag:s19], $0x800  }
0x7e: {  	[sflag:s19] =	ssyncset.done $0x0  }
0x7f: {  	[sflag:s19] =	ssyncadd.s32 $0xFFFFF800  }
0x80: {  	_ =	sfence.sel $0x180000  }
0x81: {  	[bflag:$0x0] =	sbarrier.arrive $0xFFFF  }
0x82: {  	p0 =	sne.s32 s2, $0x0;
	_ =	strace $0x9000004A  }
0x83: {  	s0 =	sadd.s32 @!p0 $0x100000, s0;
	[bflag:$0x2] =	sbarrier.arrive $0xFFFF  }
0x84: {  	[sflag:s0] =	ssyncadd.tile.s32 @!p0 $0x1;
	_ =	shalt  }
.Lfunc_end2:
_tile_overlayer_lowered:
.L_overlay_start_2:
0x85: {  	(tag) =	ssettag $0x2  }
0x86: {  	s0 =	rddreg [dreg:$0x0];
	s2 =	stileid.u32  }
0x87: {  	s1 =	rddreg [dreg:$0x1];
	p0 =	sne.s32 s2, $0x0  }
0x88: {  	s3 =	rddreg [dreg:$0x2];
	[bflag:$0x3] =	sbarrier.arrive $0xFFFF;
	s2 =	simm.s32 @!p0 $0x1C02  }
0x89: {  	[timem:s3], [sflag:s2] =	dma.local @!p0 [hbm:s0], s1  }
0x8a: {  	s0 =	simm.s32 @!p0 $0x2  }
0x8b: {  	_ =	swait.ge @!p0 [sflag:s0], s1  }
0x8c: {  	s1 =	ssub.s32 @!p0 $0x0, s1;
	[sflag:s0] =	ssyncset.done @!p0 $0x0  }
0x8d: {  	[sflag:s0] =	ssyncadd.s32 @!p0 s1  }
0x8e: {  	[bflag:$0x3] =	sbarrier.arrive $0xFFFF  }
0x8f: {  	_ =	shalt  }

// kernel: kernel.14.cloned.1.call-start
scs
__scs_entry_jumppad:
0x0: {  	(pc) =	sbr.rel $0x88, $3  }
0x1: {  	(tag) =	ssettag $0x0;
	lr =	simm.s32 $0x1  }
0x2: {  	[smem:$0x3F9A] =	sst lr;
	_ =	strace $0xD0000000  }
0x3: {  	_ = 	snop  }
0x4: {  	_ = 	snop  }
0x5: {  	_ = 	snop  }
0x6: {  	_ = 	snop  }
0x7: {  	_ = 	snop  }
__scs_overlays_trampoline_lowered:
0x8: {  	[smem:$0x3FA9] =	sst s0  }
0x9: {  	[smem:$0x3FAA] =	sst s1  }
0xa: {  	[smem:$0x3FAB] =	sst s2  }
0xb: {  	[smem:$0x3FAC] =	sst s3  }
0xc: {  	[smem:$0x3FAD] =	sst s4  }
0xd: {  	[smem:$0x3FAE] =	sst s5  }
0xe: {  	[smem:$0x3FAF] =	sst s6  }
0xf: {  	[smem:$0x3FB0] =	sst s7  }
0x10: {  	[smem:$0x3FB1] =	sst s8  }
0x11: {  	[smem:$0x3FB2] =	sst s9;
	s0 =	simm.s32 @!p0 $0x0  }
0x12: {  	s1 =	sld [smem:$0x3F98];
	s0 =	simm.s32 @p0 $0x1  }
0x13: {  	[smem:$0x3FB3] =	sst s0;
	s0 =	simm.s32 @!p1 $0x0  }
0x14: {  	s2 =	sld [smem:$0x3F97];
	s0 =	simm.s32 @p1 $0x1  }
0x15: {  	[smem:$0x3FB4] =	sst s0;
	s0 =	simm.s32 @!p2 $0x0  }
0x16: {  	s3 =	sld [smem:$0x3FDB];
	s0 =	simm.s32 @p2 $0x1  }
0x17: {  	s4 =	simm.s32 $0x1BF5;
	[smem:$0x3FB6] =	sst s0  }
0x18: {  	s0 =	sld [smem:$0x3F99];
	_ =	swait.ge [sflag:s4], $0x0  }
0x19: {  	s7 =	sld [smem:$0x3F9A]  }
0x1a: {  	s8 =	sadd.s32 $0xFFFFE003, lr  }
0x1b: {  	s9 =	sadd.s32 $0xFFFFFEF7, lr;
	s5 =	simm.s32 $0xFFFFFFFF;
	p2 =	slt.u32 s8, $0xFFFFF086  }
0x1c: {  	p1 =	slt.u32 s9, $0xF7A;
	s5 =	simm.s32 @!p2 $0x0  }
0x1d: {  	s5 =	simm.s32 @p1 $0x1;
	p0 =	seq.s32 s7, s2  }
0x1e: {  	s7 =	smul.u32 @!p0 $0xF7A, s2;
	p2 =	seq.s32 @!p0 s5, $0x0  }
0x1f: {  	s9 =	smul.u32 $0xF7A, s1;
	s8 =	simm.s32 @!p0 $0x1BF5;
	p2 =	por !p2, p0  }
0x20: {  	[sflag:s8] =	ssyncset.s32 @!p0 $0xFFFFF086;
	s6 =	sadd.s32 @!p0 s3, s7;
	s7 =	simm.s32 @!p0 $0x108  }
0x21: {  	s3 =	sadd.s32 s3, s9;
	s6 =	sadd.s32 @!p0 $0x88, s6;
	s7 =	simm.s32 @p2 $0x1082  }
0x22: {  	[simem:s7], [sflag:s8] =	dma.local @!p0 [hbm:s6], $0xF7A  }
0x23: {  	s9 =	sor.u32 $0xD0000000, s2;
	s6 =	simm.s32 $0x108;
	_ =	swait.ge @!p0 [sflag:s8], $0x0  }
0x24: {  	s3 =	sadd.s32 $0x88, s3;
	s6 =	simm.s32 @!p1 $0x1082;
	[sflag:s4] =	ssyncset.s32 $0xFFFFF086  }
0x25: {  	[simem:s6], [sflag:s4] =	dma.local [hbm:s3], $0xF7A  }
0x26: {  	[smem:$0x3F9A] =	sst s1;
	(tag) =	ssettag s2;
	_ =	strace s9  }
0x27: {  	s1 =	sld [smem:$0x3FAA]  }
0x28: {  	s2 =	sld [smem:$0x3FAB]  }
0x29: {  	s4 =	sld [smem:$0x3FAD]  }
0x2a: {  	p0 =	seq.s32 s5, $0x0;
	s5 =	sld [smem:$0x3FAE]  }
0x2b: {  	s6 =	sld [smem:$0x3FAF]  }
0x2c: {  	s7 =	sld [smem:$0x3FB0]  }
0x2d: {  	s3 =	simm.s32 $0x108;
	s8 =	sld [smem:$0x3FB1]  }
0x2e: {  	s3 =	simm.s32 @!p0 $0x1082;
	s9 =	sld [smem:$0x3FB2]  }
0x2f: {  	lr =	sadd.s32 s0, s3;
	s0 =	sld [smem:$0x3FA9]  }
0x30: {  	s3 =	sld [smem:$0x3FAC]  }
0x31: {  	[smem:$0x3FB5] =	sst s10  }
0x32: {  	s10 =	sld [smem:$0x3FB3];
	_ =	sdelay $0x3  }
0x33: {  	p0 =	seq.s32 s10, $0x1;
	s10 =	sld [smem:$0x3FB5];
	_ =	sdelay $0x3  }
0x34: {  	[smem:$0x3FB5] =	sst s10  }
0x35: {  	s10 =	sld [smem:$0x3FB4];
	_ =	sdelay $0x3  }
0x36: {  	p1 =	seq.s32 s10, $0x1;
	s10 =	sld [smem:$0x3FB5];
	_ =	sdelay $0x3  }
0x37: {  	[smem:$0x3FB5] =	sst s10  }
0x38: {  	s10 =	sld [smem:$0x3FB6]  }
0x39: {  	_ = 	snop;
	(pc) =	sbr.ind lr, $3  }
0x3a: {  	_ = 	snop  }
0x3b: {  	_ = 	snop  }
0x3c: {  	p2 =	seq.s32 s10, $0x1;
	s10 =	sld [smem:$0x3FB5]  }
0x3d: {  	_ =	shalt  }
0x3e: {  	_ =	shalt  }
0x3f: {  	_ =	shalt  }
0x40: {  	_ =	shalt  }
0x41: {  	_ =	shalt  }
0x42: {  	_ =	shalt  }
0x43: {  	_ =	shalt  }
0x44: {  	_ =	shalt  }
0x45: {  	_ =	shalt  }
0x46: {  	_ =	shalt  }
0x47: {  	_ =	shalt  }
0x48: {  	_ =	shalt  }
0x49: {  	_ =	shalt  }
0x4a: {  	_ =	shalt  }
0x4b: {  	_ =	shalt  }
0x4c: {  	_ =	shalt  }
0x4d: {  	_ =	shalt  }
0x4e: {  	_ =	shalt  }
0x4f: {  	_ =	shalt  }
0x50: {  	_ =	shalt  }
0x51: {  	_ =	shalt  }
0x52: {  	_ =	shalt  }
0x53: {  	_ =	shalt  }
0x54: {  	_ =	shalt  }
0x55: {  	_ =	shalt  }
0x56: {  	_ =	shalt  }
0x57: {  	_ =	shalt  }
0x58: {  	_ =	shalt  }
0x59: {  	_ =	shalt  }
0x5a: {  	_ =	shalt  }
0x5b: {  	_ =	shalt  }
0x5c: {  	_ =	shalt  }
0x5d: {  	_ =	shalt  }
0x5e: {  	_ =	shalt  }
0x5f: {  	_ =	shalt  }
0x60: {  	_ =	shalt  }
0x61: {  	_ =	shalt  }
0x62: {  	_ =	shalt  }
0x63: {  	_ =	shalt  }
0x64: {  	_ =	shalt  }
0x65: {  	_ =	shalt  }
0x66: {  	_ =	shalt  }
0x67: {  	_ =	shalt  }
0x68: {  	_ =	shalt  }
0x69: {  	_ =	shalt  }
0x6a: {  	_ =	shalt  }
0x6b: {  	_ =	shalt  }
0x6c: {  	_ =	shalt  }
0x6d: {  	_ =	shalt  }
0x6e: {  	_ =	shalt  }
0x6f: {  	_ =	shalt  }
0x70: {  	_ =	shalt  }
0x71: {  	_ =	shalt  }
0x72: {  	_ =	shalt  }
0x73: {  	_ =	shalt  }
0x74: {  	_ =	shalt  }
0x75: {  	_ =	shalt  }
0x76: {  	_ =	shalt  }
0x77: {  	_ =	shalt  }
0x78: {  	_ =	shalt  }
0x79: {  	_ =	shalt  }
0x7a: {  	_ =	shalt  }
0x7b: {  	_ =	shalt  }
0x7c: {  	_ =	shalt  }
0x7d: {  	_ =	shalt  }
0x7e: {  	_ =	shalt  }
0x7f: {  	_ =	shalt  }
0x80: {  	_ =	shalt  }
0x81: {  	_ =	shalt  }
0x82: {  	_ =	shalt  }
0x83: {  	_ =	shalt  }
0x84: {  	_ =	shalt  }
0x85: {  	_ =	shalt  }
0x86: {  	_ =	shalt  }
0x87: {  	_ =	shalt  }
.Lfunc_end0:
.L_simem_size_0:
called_computation.2_lowered:
.L_overlay_start_0:
0x88: {  	s2 =	sld [smem:$0x3FD9]  }
0x89: {  	s3 =	sld [smem:$0x3FFE];
	_ =	sdelay $0x1  }
0x8a: {  	s1 =	srdreg.scid  }
0x8b: {  	s0 =	sand.u32 $0x1, s1  }
0x8c: {  	s16 =	sshll.u32 s0, $0xA;
	s2 =	sadd.s32 s3, s2  }
0x8d: {  	s2 =	sadd.s32 s2, s16  }
0x8e: {  	[smem:$0x3FC1] =	sst s2  }
0x8f: {  	_ = 	snop  }
0x90: {  	(tm) =	ssettm $0x1  }
0x91: {  	s17 =	sld [smem:$0x3FFB];
	_ =	sdelay $0x3  }
0x92: {  	_ =	strace s17  }
0x93: {  	s2 =	sld [smem:$0x3FFC];
	_ =	sdelay $0x3  }
0x94: {  	_ =	strace s2  }
0x95: {  	s2 =	sld [smem:$0x3FFD];
	_ =	sdelay $0x3  }
0x96: {  	_ =	strace s2  }
0x97: {  	_ =	strace $0x8FFFFFFF  }
0x98: {  	s18 =	sld [smem:$0x3FDB];
	_ =	sdelay $0x1  }
0x99: {  	s19 =	simm.s32 $_scs_section_size  }
0x9a: {  	s4 =	simm.s32 $_size__tile_overlayer_lowered;
	s5 =	simm.s32 $_tile_overlayer_lowered  }
0x9b: {  	s22 =	simm.s32 $0x1BFF;
	s21 =	sshll.u32 s5, $0x1;
	s2 =	sadd.s32 s19, s18  }
0x9c: {  	s6 =	simm.s32 $0x0;
	s20 =	sshll.u32 s4, $0x1;
	s4 =	sadd.s32 s21, s2  }
0x9d: {  	[timem:s6], [sflag:s22] =	dma.local [hbm:s4], s20  }
0x9e: {  	_ =	swait.ge [sflag:s22], s20  }
0x9f: {  	s3 =	ssub.s32 $0x0, s20;
	[sflag:s22] =	ssyncset.done $0x0  }
0xa0: {  	[sflag:s22] =	ssyncadd.s32 s3;
	_ =	sdelay $0x1  }
0xa1: {  	s23 =	simm.s32 $0x1B8B  }
0xa2: {  	_ =	swait.ge [sflag:s23], $0x1  }
0xa3: {  	[sflag:s23] =	ssyncset.done $0x0  }
0xa4: {  	s25 =	simm.s32 $0x1B8E;
	s24 =	sld [smem:$0x3FFE];
	[sflag:s23] =	ssyncadd.s32 $0xFFFFFFFF  }
0xa5: {  	s26 =	simm.s32 $execute0_lowered;
	[smem:$0x3FD2] =	sst s25  }
0xa6: {  	s4 =	sshll.u32 s26, $0x1;
	_ =	strace $0x8000004C;
	[dreg:$0x1] =	wrdreg $0xFFFFFFFF  }
0xa7: {  	s28 =	simm.s32 $_size_execute0_lowered;
	s2 =	sadd.s32 s2, s4;
	[dreg:$0x0] =	wrdreg $0x0  }
0xa8: {  	s4 =	sshll.u32 s28, $0x1;
	[dreg:$0x2] =	wrdreg s2  }
0xa9: {  	[dreg:$0x3] =	wrdreg s4  }
0xaa: {  	[dreg:$0x4] =	wrdreg $0xC0  }
0xab: {  	_ =	task [dreg:s6], $0x5FFFF  }
0xac: {  	[dreg:$0x1] =	wrdreg $0xFFFFFFFF  }
0xad: {  	[dreg:$0x0] =	wrdreg $0x60  }
0xae: {  	[dreg:$0x2] =	wrdreg s24  }
0xaf: {  	[dreg:$0x3] =	wrdreg $0x41000  }
0xb0: {  	[dreg:$0x4] =	wrdreg $0x9  }
0xb1: {  	_ =	task.clear_ibuf [dreg:s6], $0x5FFFF;
	_ =	strace $0x9000004C  }
0xb2: {  	s29 =	simm.s32 $0x9;
	_ =	strace $0x8000004E  }
0xb3: {  	_ =	swait.ge [sflag:s29], $0x1  }
0xb4: {  	[sflag:s29] =	ssyncadd.s32 $0xFFFFFFFF  }
0xb5: {  	_ =	strace $0x9000004E  }
0xb6: {  	_ =	sfence  }
0xb7: {  	s30 =	sld [smem:$0x0];
	_ =	sdelay $0x2  }
0xb8: {  	s31 =	sshll.u32 s1, $0xD;
	s1 =	sshrl.u32 s1, $0x2  }
0xb9: {  	s3 =	sand.u32 $0x4000, s31;
	s1 =	sadd.s32 s1, s30  }
0xba: {  	s0 =	sor.u32 s3, s0;
	s1 =	sshll.u32 s1, $0x11  }
0xbb: {  	s0 =	sor.u32 s1, s0  }
0xbc: {  	s0 =	sadd.s32 $0x8F2B, s0  }
0xbd: {  	[sflag:s0] =	ssyncadd.remote.s32 $0x1  }
0xbe: {  	_ =	sfence.sel $0xFFFF  }
0xbf: {  	[dreg:$0x0] =	wrdreg $0xFFFFFFFF;
	(pc) =	sbr.abs _section_cstart, $3  }
0xc0: {  	[dreg:$0x1] =	wrdreg $0xFFFFFFFF  }
0xc1: {  	_ =	task.clear_ibuf [dreg:s6], $0x2FFFF;
	_ =	strace $0x9FFFFFFF  }
0xc2: {  	(tm) =	ssettm $0x7FFFFFFF  }
0xc3: {  	_ =	shalt  }
tec
execute0_lowered:
.L_overlay_start_1:
0x0: {  	(tag) =	ssettag $0x1  }
0x1: {  	s5 =	rddreg [dreg:$0x0]  }
0x2: {  	s0 =	srdreg.scid;
	s1 =	rddreg [dreg:$0x1]  }
0x3: {  	s3 =	simm.s32 $0x0;
	s2 =	stileid.u32;
	s20 =	simm.s32 $0x80  }
0x4: {  	s21 =	simm.s32 $0x1;
	s22 =	simm.s32 $0x0;
	s7 =	smul.u32 $0x50000, s2  }
0x5: {  	s6 =	sand.u32 $0x1, s0;
	s0 =	rddreg [dreg:$0x2];
	s9 =	smul.u32 $0x14000, s2  }
0x6: {  	[smem:$0x7FF] =	sst s3;
	s15 =	sadd.s32 $0x3E000, s5;
	s30 =	smul.u32 $0x4F0, s2  }
0x7: {  	s4 =	smul.u32 $0x4F00, s6;
	_ =	strace $0x8000004D;
	s8 =	ssub.s32 $0x2, s6  }
0x8: {  	s17 =	smul.u32 $0x140000, s6;
	s29 =	sshrl.u32 s8, $0x1;
	s7 =	sshrl.u32 s7, $0x2  }
0x9: {  	s10 =	sadd.s32 $0x4000, s9;
	s12 =	sadd.s32 $0x8000, s9;
	s13 =	sadd.s32 $0xC000, s9  }
0xa: {  	s18 =	sadd.s32 $0x10000, s9;
	s14 =	sadd.s32 s4, s5;
	s4 =	sadd.s32 $0x16E00, s5  }
0xb: {  	s16 =	ssub.s32 s8, s29;
	s5 =	sadd.s32 s7, s1;
	s6 =	sadd.s32 s10, s1  }
0xc: {  	s7 =	sadd.s32 s12, s1;
	s8 =	sadd.s32 s13, s1;
	s11 =	sadd.s32 s9, s17  }
0xd: {  	s10 =	sadd.s32 s17, s10;
	s9 =	sadd.s32 s18, s1;
	s12 =	sadd.s32 s17, s12  }
0xe: {  	s13 =	sadd.s32 s17, s13;
	s17 =	sadd.s32 s17, s18;
	s18 =	simm.s32 $0x100  }
0xf: {  	s11 =	sshrl.u32 s11, $0x3;
	s19 =	sshrl.u32 s10, $0x3;
	s12 =	sshrl.u32 s12, $0x3  }
0x10: {  	s13 =	sshrl.u32 s13, $0x3;
	s17 =	sshrl.u32 s17, $0x3;
	s31 =	sadd.s32 s30, s14  }
0x11: {  	s10 =	sadd.s32 s15, s11;
	s11 =	sadd.s32 s15, s19;
	s12 =	sadd.s32 s15, s12  }
0x12: {  	s13 =	sadd.s32 s15, s13;
	s14 =	sadd.s32 s15, s17;
	s15 =	smax.u32 s16, $0x1  }
0x13: {  	v0 =	vimm.f32 $0.0e+00;
	s16 =	sadd.s32 $0x2800, s31;
	s17 =	sadd.s32 $0xD000, s31;
	s19 =	simm.s32 $0x2  }
.LBB2_1:
0x14: {  	s23 =	simm.s32 $0x0;
	s24 =	simm.s32 $0x200  }
.LBB2_2:
0x15: {  	p0 =	sne.s32 s24, $0xFE00;
	[tilespmem:s23+$0x170] =	vst v0  }
0x16: {  	[tilespmem:s23+$0x100] =	vst v0  }
0x17: {  	[tilespmem:s23+$0x110] =	vst v0  }
.Ltmp0:
0x18: {  	[tilespmem:s23+$0x120] =	vst v0;
	(pc) =	sbr.rel @p0 .LBB2_2-.Ltmp0, $4  }
0x19: {  	[tilespmem:s23+$0x130] =	vst v0  }
0x1a: {  	[tilespmem:s23+$0x140] =	vst v0  }
0x1b: {  	[tilespmem:s23+$0x150] =	vst v0  }
0x1c: {  	[tilespmem:s23+$0x160] =	vst v0;
	s23 =	sshra.s32 s24, $0x2;
	s24 =	sadd.s32 $0x200, s24  }
0x1d: {  	[tilespmem:s23+$0x170] =	vst v0  }
0x1e: {  	[tilespmem:s23+$0x100] =	vst v0  }
0x1f: {  	[tilespmem:s23+$0x110] =	vst v0  }
0x20: {  	[tilespmem:s23+$0x120] =	vst v0  }
0x21: {  	[tilespmem:s23+$0x130] =	vst v0  }
0x22: {  	[tilespmem:s23+$0x140] =	vst v0  }
0x23: {  	[tilespmem:s23+$0x150] =	vst v0  }
0x24: {  	[tilespmem:s23+$0x160] =	vst v0  }
0x25: {  	[spmem:s5] =	stream.linear.scatter [tilespmem:s18], [sflag:$0x2], $0x4000, $0x38;
	[tilespmem:$0x18100] =	vst v63  }
0x26: {  	_ =	swait.ge [sflag:s19], $0x4000  }
0x27: {  	[sflag:s19] =	ssyncset.done $0x0  }
0x28: {  	[sflag:s19] =	ssyncadd.s32 $0xFFFFC000  }
0x29: {  	[spmem:s6] =	stream.linear.scatter [tilespmem:s18], [sflag:$0x2], $0x4000, $0x38;
	[tilespmem:$0x18100] =	vst v63  }
0x2a: {  	_ =	swait.ge [sflag:s19], $0x4000  }
0x2b: {  	[sflag:s19] =	ssyncset.done $0x0  }
0x2c: {  	[sflag:s19] =	ssyncadd.s32 $0xFFFFC000  }
0x2d: {  	[spmem:s7] =	stream.linear.scatter [tilespmem:s18], [sflag:$0x2], $0x4000, $0x38;
	[tilespmem:$0x18100] =	vst v63  }
0x2e: {  	_ =	swait.ge [sflag:s19], $0x4000  }
0x2f: {  	[sflag:s19] =	ssyncset.done $0x0  }
0x30: {  	[sflag:s19] =	ssyncadd.s32 $0xFFFFC000  }
0x31: {  	[spmem:s8] =	stream.linear.scatter [tilespmem:s18], [sflag:$0x2], $0x4000, $0x38;
	[tilespmem:$0x18100] =	vst v63  }
0x32: {  	_ =	swait.ge [sflag:s19], $0x4000  }
0x33: {  	[sflag:s19] =	ssyncset.done $0x0  }
0x34: {  	[sflag:s19] =	ssyncadd.s32 $0xFFFFC000  }
0x35: {  	[spmem:s9] =	stream.linear.scatter [tilespmem:s18], [sflag:$0x2], $0x4000, $0x38;
	[tilespmem:$0x18100] =	vst v63  }
0x36: {  	_ =	swait.ge [sflag:s19], $0x4000  }
0x37: {  	[sflag:s19] =	ssyncset.done $0x0  }
0x38: {  	[sflag:s19] =	ssyncadd.s32 $0xFFFFC000  }
0x39: {  	s30 =	sadd.s32 $0x0, s17;
	[bflag:$0x0] =	sbarrier.arrive $0xFFFF  }
0x3a: {  	[tilespmem:s3], [sflag:$0x2] =	stream.linear.gather [hbm4b:s30+s3], $0x80, $0x38;
	[tilespmem:$0x18100] =	vst v63  }
0x3b: {  	_ =	swait.ge [sflag:s19], $0x80  }
0x3c: {  	[sflag:s19] =	ssyncset.done $0x0  }
0x3d: {  	s31 =	sadd.s32 $0x0, s16;
	[sflag:s19] =	ssyncadd.s32 $0xFFFFFF80  }
0x3e: {  	[tilespmem:s20], [sflag:$0x2] =	stream.linear.gather [hbm4b:s31+s3], $0x80, $0x38;
	[tilespmem:$0x18100] =	vst v63  }
0x3f: {  	_ =	swait.ge [sflag:s19], $0x80  }
0x40: {  	[sflag:s19] =	ssyncset.done $0x0  }
0x41: {  	[sflag:s19] =	ssyncadd.s32 $0xFFFFFF80  }
0x42: {  	[tilespmem:s18], [sflag:$0x1] =	stream.indirect.gather [hbm4b:s4+s20], $0x80, s3, s20, $0xb8;
	[tilespmem:$0x18100] =	vst v63  }
0x43: {  	_ =	swait.ge [sflag:s21], $0x4000  }
0x44: {  	[sflag:s21] =	ssyncset.done $0x0  }
0x45: {  	[sflag:s21] =	ssyncadd.s32 $0xFFFFC000  }
0x46: {  	[spmem:s1] =	stream.indirect.scatter.add.f32 [tilespmem:s18], [sflag:$0x2], $0x80, s20, s20, $0xb8;
	[tilespmem:$0x18100] =	vst v63  }
0x47: {  	_ =	swait.ge [sflag:s19], $0x4000  }
0x48: {  	s23 =	simm.s32 $0x10;
	s24 =	simm.s32 $0x20;
	[sflag:s19] =	ssyncset.done $0x0  }
.LBB2_4:
0x49: {  	s25 =	sadd.s32 s23, s17  }
0x4a: {  	[sflag:s19] =	ssyncadd.s32 $0xFFFFC000;
	s26 =	smov.u32 s24;
	s28 =	sadd.s32 $0x10, s24  }
0x4b: {  	[tilespmem:s3], [sflag:$0x2] =	stream.linear.gather [hbm4b:s25+s3], $0x80, $0x38;
	[tilespmem:$0x18100] =	vst v63  }
0x4c: {  	p0 =	sne.s32 s24, $0x4E0;
	_ =	swait.ge [sflag:s19], $0x80  }
0x4d: {  	[sflag:s19] =	ssyncset.done $0x0  }
0x4e: {  	s24 =	sadd.s32 s23, s16;
	s23 =	smov.u32 s26;
	[sflag:s19] =	ssyncadd.s32 $0xFFFFFF80  }
0x4f: {  	[tilespmem:s20], [sflag:$0x2] =	stream.linear.gather [hbm4b:s24+s3], $0x80, $0x38;
	[tilespmem:$0x18100] =	vst v63  }
0x50: {  	_ =	swait.ge [sflag:s19], $0x80  }
0x51: {  	[sflag:s19] =	ssyncset.done $0x0  }
0x52: {  	[sflag:s19] =	ssyncadd.s32 $0xFFFFFF80  }
0x53: {  	[tilespmem:s18], [sflag:$0x1] =	stream.indirect.gather [hbm4b:s4+s20], $0x80, s3, s20, $0xb8;
	[tilespmem:$0x18100] =	vst v63  }
0x54: {  	_ =	swait.ge [sflag:s21], $0x4000  }
.Ltmp1:
0x55: {  	[sflag:s21] =	ssyncset.done $0x0;
	(pc) =	sbr.rel @p0 .LBB2_4-.Ltmp1, $4  }
0x56: {  	[sflag:s21] =	ssyncadd.s32 $0xFFFFC000  }
0x57: {  	[spmem:s1] =	stream.indirect.scatter.add.f32 [tilespmem:s18], [sflag:$0x2], $0x80, s20, s20, $0xb8;
	[tilespmem:$0x18100] =	vst v63  }
0x58: {  	_ =	swait.ge [sflag:s19], $0x4000  }
0x59: {  	s24 =	smov.u32 s28;
	[sflag:s19] =	ssyncset.done $0x0  }
0x5a: {  	s24 =	sadd.s32 s23, s17;
	[sflag:s19] =	ssyncadd.s32 $0xFFFFC000  }
0x5b: {  	[tilespmem:s3], [sflag:$0x2] =	stream.linear.gather [hbm4b:s24+s3], $0x80, $0x38;
	[tilespmem:$0x18100] =	vst v63  }
0x5c: {  	_ =	swait.ge [sflag:s19], $0x80  }
0x5d: {  	[sflag:s19] =	ssyncset.done $0x0  }
0x5e: {  	s24 =	sadd.s32 s23, s16;
	[sflag:s19] =	ssyncadd.s32 $0xFFFFFF80  }
0x5f: {  	[tilespmem:s20], [sflag:$0x2] =	stream.linear.gather [hbm4b:s24+s3], $0x80, $0x38;
	[tilespmem:$0x18100] =	vst v63  }
0x60: {  	_ =	swait.ge [sflag:s19], $0x80  }
0x61: {  	[sflag:s19] =	ssyncset.done $0x0  }
0x62: {  	[sflag:s19] =	ssyncadd.s32 $0xFFFFFF80  }
0x63: {  	[tilespmem:s18], [sflag:$0x1] =	stream.indirect.gather [hbm4b:s4+s20], $0x80, s3, s20, $0xb8;
	[tilespmem:$0x18100] =	vst v63  }
0x64: {  	_ =	swait.ge [sflag:s21], $0x4000  }
0x65: {  	[sflag:s21] =	ssyncset.done $0x0  }
0x66: {  	[sflag:s21] =	ssyncadd.s32 $0xFFFFC000  }
0x67: {  	[spmem:s1] =	stream.indirect.scatter.add.f32 [tilespmem:s18], [sflag:$0x2], $0x80, s20, s20, $0xb8;
	[tilespmem:$0x18100] =	vst v63  }
0x68: {  	_ =	swait.ge [sflag:s19], $0x4000  }
0x69: {  	[sflag:s19] =	ssyncset.done $0x0  }
0x6a: {  	s25 =	sshll.u32 s2, $0x6;
	[sflag:s19] =	ssyncadd.s32 $0xFFFFC000  }
0x6b: {  	s26 =	sshrl.u32 s5, $0x3;
	s23 =	sor.u32 $0x1C02, s25;
	[bflag:$0x0] =	sbarrier.arrive $0xFFFF  }
0x6c: {  	[hbm:s10], [sflag:s23] =	dma.local [spmem:s26], $0x800  }
0x6d: {  	_ =	swait.ge [sflag:s19], $0x800  }
0x6e: {  	[sflag:s19] =	ssyncset.done $0x0  }
0x6f: {  	s28 =	sshrl.u32 s6, $0x3;
	[sflag:s19] =	ssyncadd.s32 $0xFFFFF800  }
0x70: {  	[hbm:s11], [sflag:s23] =	dma.local [spmem:s28], $0x800  }
0x71: {  	_ =	swait.ge [sflag:s19], $0x800  }
0x72: {  	[sflag:s19] =	ssyncset.done $0x0  }
0x73: {  	s29 =	sshrl.u32 s7, $0x3;
	[sflag:s19] =	ssyncadd.s32 $0xFFFFF800  }
0x74: {  	[hbm:s12], [sflag:s23] =	dma.local [spmem:s29], $0x800  }
0x75: {  	_ =	swait.ge [sflag:s19], $0x800  }
0x76: {  	[sflag:s19] =	ssyncset.done $0x0  }
0x77: {  	s30 =	sshrl.u32 s8, $0x3;
	[sflag:s19] =	ssyncadd.s32 $0xFFFFF800  }
0x78: {  	[hbm:s13], [sflag:s23] =	dma.local [spmem:s30], $0x800  }
0x79: {  	s22 =	sadd.s32 $0x1, s22;
	_ =	swait.ge [sflag:s19], $0x800  }
0x7a: {  	p0 =	sne.s32 s22, s15;
	[sflag:s19] =	ssyncset.done $0x0  }
.Ltmp2:
0x7b: {  	s31 =	sshrl.u32 s9, $0x3;
	[sflag:s19] =	ssyncadd.s32 $0xFFFFF800;
	(pc) =	sbr.rel @p0 .LBB2_1-.Ltmp2, $4  }
0x7c: {  	[hbm:s14], [sflag:s23] =	dma.local [spmem:s31], $0x800  }
0x7d: {  	_ =	swait.ge [sflag:s19], $0x800  }
0x7e: {  	[sflag:s19] =	ssyncset.done $0x0  }
0x7f: {  	[sflag:s19] =	ssyncadd.s32 $0xFFFFF800  }
0x80: {  	_ =	sfence.sel $0x180000  }
0x81: {  	[bflag:$0x0] =	sbarrier.arrive $0xFFFF  }
0x82: {  	p0 =	sne.s32 s2, $0x0;
	_ =	strace $0x9000004D  }
0x83: {  	s0 =	sadd.s32 @!p0 $0x100000, s0;
	[bflag:$0x2] =	sbarrier.arrive $0xFFFF  }
0x84: {  	[sflag:s0] =	ssyncadd.tile.s32 @!p0 $0x1;
	_ =	shalt  }
.Lfunc_end2:
_tile_overlayer_lowered:
.L_overlay_start_2:
0x85: {  	(tag) =	ssettag $0x2  }
0x86: {  	s0 =	rddreg [dreg:$0x0];
	s2 =	stileid.u32  }
0x87: {  	s1 =	rddreg [dreg:$0x1];
	p0 =	sne.s32 s2, $0x0  }
0x88: {  	s3 =	rddreg [dreg:$0x2];
	[bflag:$0x3] =	sbarrier.arrive $0xFFFF;
	s2 =	simm.s32 @!p0 $0x1C02  }
0x89: {  	[timem:s3], [sflag:s2] =	dma.local @!p0 [hbm:s0], s1  }
0x8a: {  	s0 =	simm.s32 @!p0 $0x2  }
0x8b: {  	_ =	swait.ge @!p0 [sflag:s0], s1  }
0x8c: {  	s1 =	ssub.s32 @!p0 $0x0, s1;
	[sflag:s0] =	ssyncset.done @!p0 $0x0  }
0x8d: {  	[sflag:s0] =	ssyncadd.s32 @!p0 s1  }
0x8e: {  	[bflag:$0x3] =	sbarrier.arrive $0xFFFF  }
0x8f: {  	_ =	shalt  }

// kernel: kernel.8.cloned.1.call-start
scs
__scs_entry_jumppad:
0x0: {  	(pc) =	sbr.rel $0x88, $3  }
0x1: {  	(tag) =	ssettag $0x0;
	lr =	simm.s32 $0x1  }
0x2: {  	[smem:$0x3F9A] =	sst lr;
	_ =	strace $0xD0000000  }
0x3: {  	_ = 	snop  }
0x4: {  	_ = 	snop  }
0x5: {  	_ = 	snop  }
0x6: {  	_ = 	snop  }
0x7: {  	_ = 	snop  }
__scs_overlays_trampoline_lowered:
0x8: {  	[smem:$0x3FA9] =	sst s0  }
0x9: {  	[smem:$0x3FAA] =	sst s1  }
0xa: {  	[smem:$0x3FAB] =	sst s2  }
0xb: {  	[smem:$0x3FAC] =	sst s3  }
0xc: {  	[smem:$0x3FAD] =	sst s4  }
0xd: {  	[smem:$0x3FAE] =	sst s5  }
0xe: {  	[smem:$0x3FAF] =	sst s6  }
0xf: {  	[smem:$0x3FB0] =	sst s7  }
0x10: {  	[smem:$0x3FB1] =	sst s8  }
0x11: {  	[smem:$0x3FB2] =	sst s9;
	s0 =	simm.s32 @!p0 $0x0  }
0x12: {  	s1 =	sld [smem:$0x3F98];
	s0 =	simm.s32 @p0 $0x1  }
0x13: {  	[smem:$0x3FB3] =	sst s0;
	s0 =	simm.s32 @!p1 $0x0  }
0x14: {  	s2 =	sld [smem:$0x3F97];
	s0 =	simm.s32 @p1 $0x1  }
0x15: {  	[smem:$0x3FB4] =	sst s0;
	s0 =	simm.s32 @!p2 $0x0  }
0x16: {  	s3 =	sld [smem:$0x3FDB];
	s0 =	simm.s32 @p2 $0x1  }
0x17: {  	s4 =	simm.s32 $0x1BF5;
	[smem:$0x3FB6] =	sst s0  }
0x18: {  	s0 =	sld [smem:$0x3F99];
	_ =	swait.ge [sflag:s4], $0x0  }
0x19: {  	s7 =	sld [smem:$0x3F9A]  }
0x1a: {  	s8 =	sadd.s32 $0xFFFFE003, lr  }
0x1b: {  	s9 =	sadd.s32 $0xFFFFFEF7, lr;
	s5 =	simm.s32 $0xFFFFFFFF;
	p2 =	slt.u32 s8, $0xFFFFF086  }
0x1c: {  	p1 =	slt.u32 s9, $0xF7A;
	s5 =	simm.s32 @!p2 $0x0  }
0x1d: {  	s5 =	simm.s32 @p1 $0x1;
	p0 =	seq.s32 s7, s2  }
0x1e: {  	s7 =	smul.u32 @!p0 $0xF7A, s2;
	p2 =	seq.s32 @!p0 s5, $0x0  }
0x1f: {  	s9 =	smul.u32 $0xF7A, s1;
	s8 =	simm.s32 @!p0 $0x1BF5;
	p2 =	por !p2, p0  }
0x20: {  	[sflag:s8] =	ssyncset.s32 @!p0 $0xFFFFF086;
	s6 =	sadd.s32 @!p0 s3, s7;
	s7 =	simm.s32 @!p0 $0x108  }
0x21: {  	s3 =	sadd.s32 s3, s9;
	s6 =	sadd.s32 @!p0 $0x88, s6;
	s7 =	simm.s32 @p2 $0x1082  }
0x22: {  	[simem:s7], [sflag:s8] =	dma.local @!p0 [hbm:s6], $0xF7A  }
0x23: {  	s9 =	sor.u32 $0xD0000000, s2;
	s6 =	simm.s32 $0x108;
	_ =	swait.ge @!p0 [sflag:s8], $0x0  }
0x24: {  	s3 =	sadd.s32 $0x88, s3;
	s6 =	simm.s32 @!p1 $0x1082;
	[sflag:s4] =	ssyncset.s32 $0xFFFFF086  }
0x25: {  	[simem:s6], [sflag:s4] =	dma.local [hbm:s3], $0xF7A  }
0x26: {  	[smem:$0x3F9A] =	sst s1;
	(tag) =	ssettag s2;
	_ =	strace s9  }
0x27: {  	s1 =	sld [smem:$0x3FAA]  }
0x28: {  	s2 =	sld [smem:$0x3FAB]  }
0x29: {  	s4 =	sld [smem:$0x3FAD]  }
0x2a: {  	p0 =	seq.s32 s5, $0x0;
	s5 =	sld [smem:$0x3FAE]  }
0x2b: {  	s6 =	sld [smem:$0x3FAF]  }
0x2c: {  	s7 =	sld [smem:$0x3FB0]  }
0x2d: {  	s3 =	simm.s32 $0x108;
	s8 =	sld [smem:$0x3FB1]  }
0x2e: {  	s3 =	simm.s32 @!p0 $0x1082;
	s9 =	sld [smem:$0x3FB2]  }
0x2f: {  	lr =	sadd.s32 s0, s3;
	s0 =	sld [smem:$0x3FA9]  }
0x30: {  	s3 =	sld [smem:$0x3FAC]  }
0x31: {  	[smem:$0x3FB5] =	sst s10  }
0x32: {  	s10 =	sld [smem:$0x3FB3];
	_ =	sdelay $0x3  }
0x33: {  	p0 =	seq.s32 s10, $0x1;
	s10 =	sld [smem:$0x3FB5];
	_ =	sdelay $0x3  }
0x34: {  	[smem:$0x3FB5] =	sst s10  }
0x35: {  	s10 =	sld [smem:$0x3FB4];
	_ =	sdelay $0x3  }
0x36: {  	p1 =	seq.s32 s10, $0x1;
	s10 =	sld [smem:$0x3FB5];
	_ =	sdelay $0x3  }
0x37: {  	[smem:$0x3FB5] =	sst s10  }
0x38: {  	s10 =	sld [smem:$0x3FB6]  }
0x39: {  	_ = 	snop;
	(pc) =	sbr.ind lr, $3  }
0x3a: {  	_ = 	snop  }
0x3b: {  	_ = 	snop  }
0x3c: {  	p2 =	seq.s32 s10, $0x1;
	s10 =	sld [smem:$0x3FB5]  }
0x3d: {  	_ =	shalt  }
0x3e: {  	_ =	shalt  }
0x3f: {  	_ =	shalt  }
0x40: {  	_ =	shalt  }
0x41: {  	_ =	shalt  }
0x42: {  	_ =	shalt  }
0x43: {  	_ =	shalt  }
0x44: {  	_ =	shalt  }
0x45: {  	_ =	shalt  }
0x46: {  	_ =	shalt  }
0x47: {  	_ =	shalt  }
0x48: {  	_ =	shalt  }
0x49: {  	_ =	shalt  }
0x4a: {  	_ =	shalt  }
0x4b: {  	_ =	shalt  }
0x4c: {  	_ =	shalt  }
0x4d: {  	_ =	shalt  }
0x4e: {  	_ =	shalt  }
0x4f: {  	_ =	shalt  }
0x50: {  	_ =	shalt  }
0x51: {  	_ =	shalt  }
0x52: {  	_ =	shalt  }
0x53: {  	_ =	shalt  }
0x54: {  	_ =	shalt  }
0x55: {  	_ =	shalt  }
0x56: {  	_ =	shalt  }
0x57: {  	_ =	shalt  }
0x58: {  	_ =	shalt  }
0x59: {  	_ =	shalt  }
0x5a: {  	_ =	shalt  }
0x5b: {  	_ =	shalt  }
0x5c: {  	_ =	shalt  }
0x5d: {  	_ =	shalt  }
0x5e: {  	_ =	shalt  }
0x5f: {  	_ =	shalt  }
0x60: {  	_ =	shalt  }
0x61: {  	_ =	shalt  }
0x62: {  	_ =	shalt  }
0x63: {  	_ =	shalt  }
0x64: {  	_ =	shalt  }
0x65: {  	_ =	shalt  }
0x66: {  	_ =	shalt  }
0x67: {  	_ =	shalt  }
0x68: {  	_ =	shalt  }
0x69: {  	_ =	shalt  }
0x6a: {  	_ =	shalt  }
0x6b: {  	_ =	shalt  }
0x6c: {  	_ =	shalt  }
0x6d: {  	_ =	shalt  }
0x6e: {  	_ =	shalt  }
0x6f: {  	_ =	shalt  }
0x70: {  	_ =	shalt  }
0x71: {  	_ =	shalt  }
0x72: {  	_ =	shalt  }
0x73: {  	_ =	shalt  }
0x74: {  	_ =	shalt  }
0x75: {  	_ =	shalt  }
0x76: {  	_ =	shalt  }
0x77: {  	_ =	shalt  }
0x78: {  	_ =	shalt  }
0x79: {  	_ =	shalt  }
0x7a: {  	_ =	shalt  }
0x7b: {  	_ =	shalt  }
0x7c: {  	_ =	shalt  }
0x7d: {  	_ =	shalt  }
0x7e: {  	_ =	shalt  }
0x7f: {  	_ =	shalt  }
0x80: {  	_ =	shalt  }
0x81: {  	_ =	shalt  }
0x82: {  	_ =	shalt  }
0x83: {  	_ =	shalt  }
0x84: {  	_ =	shalt  }
0x85: {  	_ =	shalt  }
0x86: {  	_ =	shalt  }
0x87: {  	_ =	shalt  }
.Lfunc_end0:
.L_simem_size_0:
called_computation_lowered:
.L_overlay_start_0:
0x88: {  	s2 =	sld [smem:$0x3FD9]  }
0x89: {  	s3 =	sld [smem:$0x3FFE];
	_ =	sdelay $0x1  }
0x8a: {  	s1 =	srdreg.scid  }
0x8b: {  	s0 =	sand.u32 $0x1, s1  }
0x8c: {  	s16 =	sshll.u32 s0, $0xA;
	s2 =	sadd.s32 s3, s2  }
0x8d: {  	s2 =	sadd.s32 s2, s16  }
0x8e: {  	[smem:$0x3FC1] =	sst s2  }
0x8f: {  	_ = 	snop  }
0x90: {  	(tm) =	ssettm $0x1  }
0x91: {  	s17 =	sld [smem:$0x3FFB];
	_ =	sdelay $0x3  }
0x92: {  	_ =	strace s17  }
0x93: {  	s2 =	sld [smem:$0x3FFC];
	_ =	sdelay $0x3  }
0x94: {  	_ =	strace s2  }
0x95: {  	s2 =	sld [smem:$0x3FFD];
	_ =	sdelay $0x3  }
0x96: {  	_ =	strace s2  }
0x97: {  	_ =	strace $0x8FFFFFFF  }
0x98: {  	s18 =	sld [smem:$0x3FDB];
	_ =	sdelay $0x1  }
0x99: {  	s19 =	simm.s32 $_scs_section_size  }
0x9a: {  	s4 =	simm.s32 $_size__tile_overlayer_lowered;
	s5 =	simm.s32 $_tile_overlayer_lowered  }
0x9b: {  	s22 =	simm.s32 $0x1BFF;
	s21 =	sshll.u32 s5, $0x1;
	s2 =	sadd.s32 s19, s18  }
0x9c: {  	s6 =	simm.s32 $0x0;
	s20 =	sshll.u32 s4, $0x1;
	s4 =	sadd.s32 s21, s2  }
0x9d: {  	[timem:s6], [sflag:s22] =	dma.local [hbm:s4], s20  }
0x9e: {  	_ =	swait.ge [sflag:s22], s20  }
0x9f: {  	s3 =	ssub.s32 $0x0, s20;
	[sflag:s22] =	ssyncset.done $0x0  }
0xa0: {  	[sflag:s22] =	ssyncadd.s32 s3;
	_ =	sdelay $0x1  }
0xa1: {  	s23 =	simm.s32 $0x1B8B  }
0xa2: {  	_ =	swait.ge [sflag:s23], $0x1  }
0xa3: {  	[sflag:s23] =	ssyncset.done $0x0  }
0xa4: {  	s25 =	simm.s32 $0x1B8E;
	s24 =	sld [smem:$0x3FFE];
	[sflag:s23] =	ssyncadd.s32 $0xFFFFFFFF  }
0xa5: {  	s26 =	simm.s32 $execute0_lowered;
	[smem:$0x3FD2] =	sst s25  }
0xa6: {  	s4 =	sshll.u32 s26, $0x1;
	_ =	strace $0x80000046;
	[dreg:$0x1] =	wrdreg $0xFFFFFFFF  }
0xa7: {  	s28 =	simm.s32 $_size_execute0_lowered;
	s2 =	sadd.s32 s2, s4;
	[dreg:$0x0] =	wrdreg $0x0  }
0xa8: {  	s4 =	sshll.u32 s28, $0x1;
	[dreg:$0x2] =	wrdreg s2  }
0xa9: {  	[dreg:$0x3] =	wrdreg s4  }
0xaa: {  	[dreg:$0x4] =	wrdreg $0xC0  }
0xab: {  	_ =	task [dreg:s6], $0x5FFFF  }
0xac: {  	[dreg:$0x1] =	wrdreg $0xFFFFFFFF  }
0xad: {  	[dreg:$0x0] =	wrdreg $0x60  }
0xae: {  	[dreg:$0x2] =	wrdreg s24  }
0xaf: {  	[dreg:$0x3] =	wrdreg $0x3800  }
0xb0: {  	[dreg:$0x4] =	wrdreg $0x9  }
0xb1: {  	_ =	task.clear_ibuf [dreg:s6], $0x5FFFF;
	_ =	strace $0x90000046  }
0xb2: {  	s29 =	simm.s32 $0x9;
	_ =	strace $0x80000048  }
0xb3: {  	_ =	swait.ge [sflag:s29], $0x1  }
0xb4: {  	[sflag:s29] =	ssyncadd.s32 $0xFFFFFFFF  }
0xb5: {  	_ =	strace $0x90000048  }
0xb6: {  	_ =	sfence  }
0xb7: {  	s30 =	sld [smem:$0x0];
	_ =	sdelay $0x2  }
0xb8: {  	s31 =	sshll.u32 s1, $0xD;
	s1 =	sshrl.u32 s1, $0x2  }
0xb9: {  	s3 =	sand.u32 $0x4000, s31;
	s1 =	sadd.s32 s1, s30  }
0xba: {  	s0 =	sor.u32 s3, s0;
	s1 =	sshll.u32 s1, $0x11  }
0xbb: {  	s0 =	sor.u32 s1, s0  }
0xbc: {  	s0 =	sadd.s32 $0x8F2B, s0  }
0xbd: {  	[sflag:s0] =	ssyncadd.remote.s32 $0x1  }
0xbe: {  	_ =	sfence.sel $0xFFFF  }
0xbf: {  	[dreg:$0x0] =	wrdreg $0xFFFFFFFF;
	(pc) =	sbr.abs _section_cstart, $3  }
0xc0: {  	[dreg:$0x1] =	wrdreg $0xFFFFFFFF  }
0xc1: {  	_ =	task.clear_ibuf [dreg:s6], $0x2FFFF;
	_ =	strace $0x9FFFFFFF  }
0xc2: {  	(tm) =	ssettm $0x7FFFFFFF  }
0xc3: {  	_ =	shalt  }
tec
execute0_lowered:
.L_overlay_start_1:
0x0: {  	(tag) =	ssettag $0x1  }
0x1: {  	s4 =	rddreg [dreg:$0x0]  }
0x2: {  	s2 =	rddreg [dreg:$0x1];
	s1 =	stileid.u32  }
0x3: {  	s5 =	srdreg.scid;
	s6 =	smul.u32 $0x280, s1  }
0x4: {  	s0 =	rddreg [dreg:$0x2];
	s5 =	sand.u32 $0x1, s5;
	s10 =	smul.u32 $0x4F0, s1  }
0x5: {  	s3 =	simm.s32 $0x0;
	s13 =	simm.s32 $0x0;
	s7 =	smul.u32 $0x2800, s5  }
0x6: {  	[smem:$0x7FF] =	sst s3;
	s11 =	sshll.u32 s1, $0x6;
	s8 =	smul.u32 $0x4F00, s5  }
0x7: {  	_ =	strace $0x80000047;
	s5 =	ssub.s32 $0x2, s5;
	s11 =	sor.u32 $0x1C01, s11  }
0x8: {  	s9 =	sshrl.u32 s5, $0x1;
	s7 =	sadd.s32 s6, s7;
	s8 =	sadd.s32 s8, s4  }
0x9: {  	s9 =	ssub.s32 s5, s9;
	s7 =	sshrl.u32 s7, $0x3;
	s31 =	sadd.s32 s10, s8  }
0xa: {  	s8 =	simm.s32 $0x100;
	s10 =	simm.s32 $0x80;
	s7 =	sadd.s32 s7, s4  }
0xb: {  	s4 =	sadd.s32 s6, s2;
	s6 =	smax.u32 s9, $0x1;
	s9 =	simm.s32 $0x1  }
0xc: {  	v0 =	vimm.f32 $1.000000000e+00;
	v1 =	vimm.f32 $0.0e+00;
	s5 =	sadd.s32 $0xC600, s7;
	s7 =	sadd.s32 $0x2800, s31;
	s12 =	sshrl.u32 s4, $0x3  }
.LBB2_1:
0xd: {  	[tilespmem:$0x80] =	vst v0  }
0xe: {  	[tilespmem:$0x90] =	vst v0  }
0xf: {  	[tilespmem:$0xA0] =	vst v0  }
0x10: {  	[tilespmem:$0xB0] =	vst v0  }
0x11: {  	[tilespmem:$0xC0] =	vst v0  }
0x12: {  	[tilespmem:$0xD0] =	vst v0  }
0x13: {  	[tilespmem:$0xE0] =	vst v0  }
0x14: {  	[tilespmem:$0xF0] =	vst v0  }
0x15: {  	[tilespmem:$0x100] =	vst v1  }
0x16: {  	[tilespmem:$0x110] =	vst v1  }
0x17: {  	[tilespmem:$0x120] =	vst v1  }
0x18: {  	[tilespmem:$0x130] =	vst v1  }
0x19: {  	[tilespmem:$0x140] =	vst v1  }
0x1a: {  	[tilespmem:$0x150] =	vst v1  }
0x1b: {  	[tilespmem:$0x160] =	vst v1  }
0x1c: {  	[tilespmem:$0x170] =	vst v1  }
0x1d: {  	[tilespmem:$0x180] =	vst v1  }
0x1e: {  	[tilespmem:$0x190] =	vst v1  }
0x1f: {  	[tilespmem:$0x1A0] =	vst v1  }
0x20: {  	[tilespmem:$0x1B0] =	vst v1  }
0x21: {  	[tilespmem:$0x1C0] =	vst v1  }
0x22: {  	[tilespmem:$0x1D0] =	vst v1  }
0x23: {  	[tilespmem:$0x1E0] =	vst v1  }
0x24: {  	[tilespmem:$0x1F0] =	vst v1  }
0x25: {  	[tilespmem:$0x200] =	vst v1  }
0x26: {  	[tilespmem:$0x210] =	vst v1  }
0x27: {  	[tilespmem:$0x220] =	vst v1  }
0x28: {  	[tilespmem:$0x230] =	vst v1  }
0x29: {  	[tilespmem:$0x240] =	vst v1  }
0x2a: {  	[tilespmem:$0x250] =	vst v1  }
0x2b: {  	[tilespmem:$0x260] =	vst v1  }
0x2c: {  	[tilespmem:$0x270] =	vst v1  }
0x2d: {  	[tilespmem:$0x280] =	vst v1  }
0x2e: {  	[tilespmem:$0x290] =	vst v1  }
0x2f: {  	[tilespmem:$0x2A0] =	vst v1  }
0x30: {  	[tilespmem:$0x2B0] =	vst v1  }
0x31: {  	[tilespmem:$0x2C0] =	vst v1  }
0x32: {  	[tilespmem:$0x2D0] =	vst v1  }
0x33: {  	[tilespmem:$0x2E0] =	vst v1  }
0x34: {  	[tilespmem:$0x2F0] =	vst v1  }
0x35: {  	[tilespmem:$0x300] =	vst v1  }
0x36: {  	[tilespmem:$0x310] =	vst v1  }
0x37: {  	[tilespmem:$0x320] =	vst v1  }
0x38: {  	[tilespmem:$0x330] =	vst v1  }
0x39: {  	[tilespmem:$0x340] =	vst v1  }
0x3a: {  	[tilespmem:$0x350] =	vst v1  }
0x3b: {  	[tilespmem:$0x360] =	vst v1  }
0x3c: {  	[tilespmem:$0x370] =	vst v1  }
0x3d: {  	[spmem:s4] =	stream.linear.scatter [tilespmem:s8], [sflag:$0x1], $0x280, $0x38;
	[tilespmem:$0x600] =	vst v63  }
0x3e: {  	_ =	swait.ge [sflag:s9], $0x280  }
0x3f: {  	[sflag:s9] =	ssyncset.done $0x0  }
0x40: {  	[sflag:s9] =	ssyncadd.s32 $0xFFFFFD80  }
0x41: {  	s14 =	sadd.s32 $0x0, s7;
	[bflag:$0x0] =	sbarrier.arrive $0xFFFF  }
0x42: {  	[tilespmem:s3], [sflag:$0x1] =	stream.linear.gather [hbm4b:s14+s3], $0x80, $0x38;
	[tilespmem:$0x600] =	vst v63  }
0x43: {  	_ =	swait.ge [sflag:s9], $0x80  }
0x44: {  	[sflag:s9] =	ssyncset.done $0x0  }
0x45: {  	[sflag:s9] =	ssyncadd.s32 $0xFFFFFF80  }
0x46: {  	[spmem:s2] =	stream.indirect.scatter.add.f32 [tilespmem:s10], [sflag:$0x1], $0x1, s3, s10, $0xb8;
	[tilespmem:$0x600] =	vst v63  }
0x47: {  	_ =	swait.ge [sflag:s9], $0x80  }
0x48: {  	s15 =	simm.s32 $0x20;
	s14 =	simm.s32 $0x10;
	[sflag:s9] =	ssyncset.done $0x0  }
.LBB2_2:
0x49: {  	s16 =	sadd.s32 s14, s7  }
0x4a: {  	[sflag:s9] =	ssyncadd.s32 $0xFFFFFF80;
	s14 =	smov.u32 s15;
	s17 =	sadd.s32 $0x10, s15  }
0x4b: {  	[tilespmem:s3], [sflag:$0x1] =	stream.linear.gather [hbm4b:s16+s3], $0x80, $0x38;
	[tilespmem:$0x600] =	vst v63  }
0x4c: {  	p0 =	sne.s32 s15, $0x4E0;
	_ =	swait.ge [sflag:s9], $0x80  }
.Ltmp0:
0x4d: {  	[sflag:s9] =	ssyncset.done $0x0;
	(pc) =	sbr.rel @p0 .LBB2_2-.Ltmp0, $4  }
0x4e: {  	[sflag:s9] =	ssyncadd.s32 $0xFFFFFF80  }
0x4f: {  	[spmem:s2] =	stream.indirect.scatter.add.f32 [tilespmem:s10], [sflag:$0x1], $0x1, s3, s10, $0xb8;
	[tilespmem:$0x600] =	vst v63  }
0x50: {  	_ =	swait.ge [sflag:s9], $0x80  }
0x51: {  	s15 =	smov.u32 s17;
	[sflag:s9] =	ssyncset.done $0x0  }
0x52: {  	s14 =	sadd.s32 s14, s7;
	[sflag:s9] =	ssyncadd.s32 $0xFFFFFF80  }
0x53: {  	[tilespmem:s3], [sflag:$0x1] =	stream.linear.gather [hbm4b:s14+s3], $0x80, $0x38;
	[tilespmem:$0x600] =	vst v63  }
0x54: {  	_ =	swait.ge [sflag:s9], $0x80  }
0x55: {  	[sflag:s9] =	ssyncset.done $0x0  }
0x56: {  	[sflag:s9] =	ssyncadd.s32 $0xFFFFFF80  }
0x57: {  	[spmem:s2] =	stream.indirect.scatter.add.f32 [tilespmem:s10], [sflag:$0x1], $0x1, s3, s10, $0xb8;
	[tilespmem:$0x600] =	vst v63  }
0x58: {  	_ =	swait.ge [sflag:s9], $0x80  }
0x59: {  	s13 =	sadd.s32 $0x1, s13;
	[sflag:s9] =	ssyncset.done $0x0  }
0x5a: {  	p0 =	sne.s32 s13, s6;
	[sflag:s9] =	ssyncadd.s32 $0xFFFFFF80  }
.Ltmp1:
0x5b: {  	[bflag:$0x0] =	sbarrier.arrive $0xFFFF;
	(pc) =	sbr.rel @p0 .LBB2_1-.Ltmp1, $4  }
0x5c: {  	[hbm:s5], [sflag:s11] =	dma.local [spmem:s12], $0x50  }
0x5d: {  	_ =	swait.ge [sflag:s9], $0x50  }
0x5e: {  	[sflag:s9] =	ssyncset.done $0x0  }
0x5f: {  	[sflag:s9] =	ssyncadd.s32 $0xFFFFFFB0  }
0x60: {  	_ =	sfence.sel $0x180000  }
0x61: {  	[bflag:$0x0] =	sbarrier.arrive $0xFFFF  }
0x62: {  	p0 =	sne.s32 s1, $0x0;
	_ =	strace $0x90000047  }
0x63: {  	s0 =	sadd.s32 @!p0 $0x100000, s0;
	[bflag:$0x2] =	sbarrier.arrive $0xFFFF  }
0x64: {  	[sflag:s0] =	ssyncadd.tile.s32 @!p0 $0x1;
	_ =	shalt  }
.Lfunc_end2:
_tile_overlayer_lowered:
.L_overlay_start_2:
0x65: {  	(tag) =	ssettag $0x2  }
0x66: {  	s0 =	rddreg [dreg:$0x0];
	s2 =	stileid.u32  }
0x67: {  	s1 =	rddreg [dreg:$0x1];
	p0 =	sne.s32 s2, $0x0  }
0x68: {  	s3 =	rddreg [dreg:$0x2];
	[bflag:$0x3] =	sbarrier.arrive $0xFFFF;
	s2 =	simm.s32 @!p0 $0x1C01  }
0x69: {  	[timem:s3], [sflag:s2] =	dma.local @!p0 [hbm:s0], s1  }
0x6a: {  	s0 =	simm.s32 @!p0 $0x1  }
0x6b: {  	_ =	swait.ge @!p0 [sflag:s0], s1  }
0x6c: {  	s1 =	ssub.s32 @!p0 $0x0, s1;
	[sflag:s0] =	ssyncset.done @!p0 $0x0  }
0x6d: {  	[sflag:s0] =	ssyncadd.s32 @!p0 s1  }
0x6e: {  	[bflag:$0x3] =	sbarrier.arrive $0xFFFF  }
0x6f: {  	_ =	shalt  }

</sc_bundles>
